<compile_context>
chip_gen: v7x
topology: tpu7x:2x2x1
jax: 0.10.2.dev20260603
libtpu: 0.0.44.dev20260713+nightly
codegen_flags: <defaults>
</compile_context>

<pallas_src>
import jax
import jax.numpy as jnp
from jax import lax
from jax.experimental import pallas as pl
from jax.experimental.pallas import tpu as pltpu
from jax.experimental.pallas import tpu_sc as plsc

NC = 2
NS = 16
NW = NC * NS
CHG = 2000
CHS = 1000
TW = 48
VW = 8

F32 = jnp.float32
I32 = jnp.int32


def _silu(v):
    return 0.5 * v * (1.0 + jnp.tanh(0.5 * v))


def _node_body(x_ref, b_ref, pos_ref, z_ref, wemb_ref, bemb_ref, we1_ref,
               be1_ref, ta_ref, tb_ref):
    z = z_ref[:]
    wemb = wemb_ref[:]
    zw = jnp.dot(z, wemb[1:, :], preferred_element_type=F32)
    bvals = b_ref[:]
    nb = zw.shape[0]
    onehot = (bvals == lax.broadcasted_iota(I32, (bvals.shape[0], nb), 1))
    h = (x_ref[:] * wemb[0:1, :]
         + jnp.dot(onehot.astype(F32), zw, preferred_element_type=F32)
         + bemb_ref[:])
    we1 = we1_ref[:]
    ta_h = jnp.dot(h, we1[:32, :], preferred_element_type=F32) + be1_ref[:]
    tb_h = jnp.dot(h, we1[32:64, :], preferred_element_type=F32)
    p = pos_ref[:]
    zpad = jnp.zeros((h.shape[0], TW - 35), dtype=F32)
    ta_ref[:] = jnp.concatenate([ta_h, p, zpad], axis=1)
    tb_ref[:] = jnp.concatenate([tb_h, -p, zpad], axis=1)


def _gather_body(ei_hbm, ta_hbm, tb_hbm, lvec_hbm, out_hbm,
                 idx_r, idx_c, ga, lv_v, sem):
    e_tot = ei_hbm.shape[1]
    ep2 = e_tot // 2
    ec = e_tot // NW
    n_chunks = ec // CHG
    wid = lax.axis_index("s") * NC + lax.axis_index("c")
    half = wid // (NW // 2)
    colw = half * 64

    pltpu.sync_copy(lvec_hbm, lv_v)
    lv = lv_v[...]
    iota = lax.iota(I32, 16)

    def col(cc):
        return jnp.full((16,), cc, I32)

    def step(i, carry):
        eoff = wid * ec + i * CHG
        row = eoff - half * ep2
        pltpu.sync_copy(ei_hbm.at[0, pl.ds(eoff, CHG)], idx_r)
        pltpu.sync_copy(ei_hbm.at[1, pl.ds(eoff, CHG)], idx_c)
        pltpu.async_copy(ta_hbm.at[idx_r], ga, sem).wait()
        pltpu.async_copy(tb_hbm.at[idx_c], ga, sem, add=True).wait()

        def wrap_radial(j, c2):
            rows = j * 16 + iota
            d0 = plsc.load_gather(ga, [rows, col(32)])
            d1 = plsc.load_gather(ga, [rows, col(33)])
            d2 = plsc.load_gather(ga, [rows, col(34)])
            d0 = jnp.where(d0 > 0.5 * lv, d0 - lv, d0)
            d0 = jnp.where(d0 < -0.5 * lv, d0 + lv, d0)
            d1 = jnp.where(d1 > 0.5 * lv, d1 - lv, d1)
            d1 = jnp.where(d1 < -0.5 * lv, d1 + lv, d1)
            d2 = jnp.where(d2 > 0.5 * lv, d2 - lv, d2)
            d2 = jnp.where(d2 < -0.5 * lv, d2 + lv, d2)
            r = d0 * d0 + d1 * d1 + d2 * d2
            plsc.store_scatter(ga, [rows, col(32)], d0)
            plsc.store_scatter(ga, [rows, col(33)], d1)
            plsc.store_scatter(ga, [rows, col(34)], d2)
            plsc.store_scatter(ga, [rows, col(35)], r)
            plsc.store_scatter(ga, [rows, col(36)], r)
            plsc.store_scatter(ga, [rows, col(37)], r)
            plsc.store_scatter(ga, [rows, col(38)], r)
            return c2

        lax.fori_loop(0, CHG // 16, wrap_radial, 0)
        pltpu.sync_copy(ga, out_hbm.at[pl.ds(row, CHG), pl.ds(colw, TW)])
        return carry

    lax.fori_loop(0, n_chunks, step, 0)


def _mlp_body(g_ref, sr_ref, w2b_ref, be2b_ref, w1b_ref, bc1b_ref, wq2_ref,
              vl_ref, vr_ref):
    graw = g_ref[:]
    lane = lax.broadcasted_iota(I32, graw.shape, 1)
    g = jnp.where(jnp.bitwise_and(lane, 63) < TW, graw, jnp.zeros_like(graw))
    t = g + jnp.dot(g, sr_ref[:], preferred_element_type=F32)
    m = _silu(t)
    m = _silu(jnp.dot(m, w2b_ref[:], preferred_element_type=F32)
              + be2b_ref[:])
    c = _silu(jnp.dot(m, w1b_ref[:], preferred_element_type=F32)
              + bc1b_ref[:])
    qb = jnp.dot(c, wq2_ref[:], preferred_element_type=F32)
    rba = pltpu.roll(g, 125, 1)
    s = jnp.tanh(qb) * 15.0 / (jnp.sqrt(rba) + 1.0)
    out = g * s
    vl_ref[:] = out[:, 32:32 + VW]
    vr_ref[:] = out[:, 96:96 + VW]


def _scatter_body(ei_hbm, vl_hbm, vr_hbm, zeros_hbm, p_hbm,
                  idx_r, vbuf, shared):
    npad = zeros_hbm.shape[0]
    rows_per_tile = npad // NS
    cid = lax.axis_index("c")
    sid = lax.axis_index("s")
    wid = sid * NC + cid
    ep2 = vl_hbm.shape[0]
    ecs = ep2 // NW
    n_chunks = ecs // CHS
    base = wid * ecs

    pltpu.sync_copy(zeros_hbm.at[pl.ds(sid * rows_per_tile, rows_per_tile)],
                    shared.at[pl.ds(sid * rows_per_tile, rows_per_tile)])
    plsc.subcore_barrier()

    def make_step(v_hbm, ibase):
        def step(i, carry):
            off = base + i * CHS
            pltpu.sync_copy(ei_hbm.at[0, pl.ds(ibase + off, CHS)], idx_r)
            pltpu.sync_copy(v_hbm.at[pl.ds(off, CHS)], vbuf)
            pltpu.sync_copy(vbuf, shared.at[idx_r], add=True)
            return carry
        return step

    lax.fori_loop(0, n_chunks, make_step(vl_hbm, 0), 0)
    lax.fori_loop(0, n_chunks, make_step(vr_hbm, ep2), 0)
    plsc.subcore_barrier()
    pltpu.sync_copy(shared.at[pl.ds(sid * rows_per_tile, rows_per_tile)],
                    p_hbm.at[cid, pl.ds(sid * rows_per_tile, rows_per_tile)])


def _combine_body(p_ref, l_ref, nn_ref, out_ref):
    lv = l_ref[0, 0]
    i = pl.program_id(0)
    blk = out_ref.shape[0]
    p = p_ref[:]
    s = p[0] + p[1]
    rowid = i * blk + lax.broadcasted_iota(I32, (blk, 1), 0)
    s = jnp.where(rowid < nn_ref[0, 0], s, jnp.zeros_like(s))
    s = jnp.where(s > 0.5 * lv, s - lv, s)
    s = jnp.where(s < -0.5 * lv, s + lv, s)
    out_ref[:] = s[:, :3]


def kernel(x, z, pos, edge_index, batch, num_nodes, l,
           W_emb, b_emb, We1, be1, We2, be2, Wc1, bc1, Wc2):
    n = x.shape[0]
    e = edge_index.shape[1]
    blkn = 1000
    lnode = 2000
    echunk = NW * CHG
    ep = ((e + echunk - 1) // echunk) * echunk
    ep2 = ep // 2
    if ep == e and n % lnode == 0:
        npad = n
    else:
        npad = (n // lnode + 1) * lnode

    if npad == n:
        x2 = x.astype(F32).reshape(n, 1)
        b2 = batch.astype(I32).reshape(n, 1)
        pos2 = pos.astype(F32)
    else:
        x2 = jnp.pad(x.astype(F32), (0, npad - n)).reshape(npad, 1)
        b2 = jnp.pad(batch.astype(I32), (0, npad - n)).reshape(npad, 1)
        pos2 = jnp.pad(pos.astype(F32), ((0, npad - n), (0, 0)))
    ei = edge_index.astype(I32)
    if ep != e:
        ei = jnp.concatenate(
            [ei, jnp.full((2, ep - e), npad - 1, I32)], axis=1)
    l11 = jnp.asarray(l, F32).reshape(1, 1)
    lvec = jnp.full((16,), l, F32)
    nn11 = jnp.asarray(num_nodes, I32).reshape(1, 1)
    b_emb2 = b_emb.reshape(1, -1).astype(F32)
    be12 = be1.reshape(1, -1).astype(F32)
    we1r = We1[64, :].astype(F32)

    grid_n = npad // blkn
    ta, tb = pl.pallas_call(
        _node_body,
        grid=(grid_n,),
        in_specs=[
            pl.BlockSpec((blkn, 1), lambda i: (i, 0)),
            pl.BlockSpec((blkn, 1), lambda i: (i, 0)),
            pl.BlockSpec((blkn, 3), lambda i: (i, 0)),
            pl.BlockSpec(z.shape, lambda i: (0, 0)),
            pl.BlockSpec(W_emb.shape, lambda i: (0, 0)),
            pl.BlockSpec((1, 32), lambda i: (0, 0)),
            pl.BlockSpec(We1.shape, lambda i: (0, 0)),
            pl.BlockSpec((1, 32), lambda i: (0, 0)),
        ],
        out_specs=[
            pl.BlockSpec((blkn, TW), lambda i: (i, 0)),
            pl.BlockSpec((blkn, TW), lambda i: (i, 0)),
        ],
        out_shape=[
            jax.ShapeDtypeStruct((npad, TW), F32),
            jax.ShapeDtypeStruct((npad, TW), F32),
        ],
    )(x2, b2, pos2, z.astype(F32), W_emb.astype(F32), b_emb2,
      We1.astype(F32), be12)

    mesh = plsc.VectorSubcoreMesh(core_axis_name="c", subcore_axis_name="s")
    gather = pl.kernel(
        _gather_body,
        out_type=jax.ShapeDtypeStruct((ep2, 128), F32),
        mesh=mesh,
        compiler_params=pltpu.CompilerParams(use_tc_tiling_on_sc=False,
                                             needs_layout_passes=False),
        scratch_types=[
            pltpu.VMEM((CHG,), I32),
            pltpu.VMEM((CHG,), I32),
            pltpu.VMEM((CHG, TW), F32),
            pltpu.VMEM((16,), F32),
            pltpu.SemaphoreType.DMA,
        ],
    )
    g2 = gather(ei, ta, tb, lvec)

    blk2 = 3200
    egrid = ep2 // blk2
    We2f = We2.astype(F32)
    Wc1f = Wc1.astype(F32)
    Wc2f = Wc2.astype(F32)
    sr = (jnp.zeros((128, 128), F32)
          .at[35, 0:32].set(we1r).at[99, 64:96].set(we1r))
    w2b = (jnp.zeros((128, 128), F32)
           .at[0:32, 0:32].set(We2f).at[64:96, 64:96].set(We2f))
    be2b = (jnp.zeros((1, 128), F32)
            .at[0, 0:32].set(be2.astype(F32))
            .at[0, 64:96].set(be2.astype(F32)))
    w1b = (jnp.zeros((128, 128), F32)
           .at[0:32, 0:32].set(Wc1f).at[64:96, 64:96].set(Wc1f))
    bc1b = (jnp.zeros((1, 128), F32)
            .at[0, 0:32].set(bc1.astype(F32))
            .at[0, 64:96].set(bc1.astype(F32)))
    wq2 = (jnp.zeros((128, 128), F32)
           .at[0:32, 32:35].set(jnp.tile(Wc2f, (1, 3)))
           .at[64:96, 96:99].set(jnp.tile(Wc2f, (1, 3))))
    vl, vr = pl.pallas_call(
        _mlp_body,
        grid=(egrid,),
        in_specs=[
            pl.BlockSpec((blk2, 128), lambda i: (i, 0)),
            pl.BlockSpec((128, 128), lambda i: (0, 0)),
            pl.BlockSpec((128, 128), lambda i: (0, 0)),
            pl.BlockSpec((1, 128), lambda i: (0, 0)),
            pl.BlockSpec((128, 128), lambda i: (0, 0)),
            pl.BlockSpec((1, 128), lambda i: (0, 0)),
            pl.BlockSpec((128, 128), lambda i: (0, 0)),
        ],
        out_specs=[
            pl.BlockSpec((blk2, VW), lambda i: (i, 0)),
            pl.BlockSpec((blk2, VW), lambda i: (i, 0)),
        ],
        out_shape=[
            jax.ShapeDtypeStruct((ep2, VW), F32),
            jax.ShapeDtypeStruct((ep2, VW), F32),
        ],
    )(g2, sr, w2b, be2b, w1b, bc1b, wq2)

    zeros_tab = jnp.zeros((npad, VW), F32)
    scatter = pl.kernel(
        _scatter_body,
        out_type=jax.ShapeDtypeStruct((NC, npad, VW), F32),
        mesh=plsc.VectorSubcoreMesh(core_axis_name="c", subcore_axis_name="s"),
        compiler_params=pltpu.CompilerParams(use_tc_tiling_on_sc=False),
        scratch_types=[
            pltpu.VMEM((CHS,), I32),
            pltpu.VMEM((CHS, VW), F32),
            pltpu.VMEM_SHARED((npad, VW), F32),
        ],
    )
    p = scatter(ei, vl, vr, zeros_tab)

    diff = pl.pallas_call(
        _combine_body,
        grid=(npad // blkn,),
        in_specs=[
            pl.BlockSpec((NC, blkn, VW), lambda i: (0, i, 0)),
            pl.BlockSpec(memory_space=pltpu.SMEM),
            pl.BlockSpec(memory_space=pltpu.SMEM),
        ],
        out_specs=pl.BlockSpec((blkn, 3), lambda i: (i, 0)),
        out_shape=jax.ShapeDtypeStruct((npad, 3), F32),
    )(p, l11, nn11)

    return diff if npad == n else diff[:n]

# --- scband reference (transcript-rebuilt; emitter-appended) ---
"""Pipeline reference for scband-decoder-36524401885237 (READ-ONLY COPY).

The authoritative reference and input builder live on the scoring server;
editing this copy changes nothing except your own understanding.
"""

import jax, jax.numpy as jnp
import numpy as np

N = 100000
E = 1600000
B = 64
H = 32
Z = 32
L = 10.0
COORDS_RANGE = 15.0


def setup_inputs(seed: int = 0) -> dict:
    key = jax.random.key(seed)
    ks = jax.random.split(key, 16)
    x = jax.random.normal(ks[0], (N,), dtype=jnp.float32)
    z = jax.random.normal(ks[1], (B, Z), dtype=jnp.float32)
    pos = jax.random.uniform(ks[2], (N, 3), dtype=jnp.float32) * L
    edge_index = jax.random.randint(ks[3], (2, E), 0, N)
    batch = jnp.sort(jax.random.randint(ks[4], (N,), 0, B))
    s = 0.05
    # emb: Linear(latent_size + 1, hidden)
    W_emb = jax.random.normal(ks[5], (Z + 1, H), dtype=jnp.float32) * s
    b_emb = jnp.zeros((H,), dtype=jnp.float32)
    # EGNN edge MLP: phi_e([h_i, h_j, radial]) -> H
    We1 = jax.random.normal(ks[6], (2 * H + 1, H), dtype=jnp.float32) * s
    be1 = jnp.zeros((H,), dtype=jnp.float32)
    We2 = jax.random.normal(ks[7], (H, H), dtype=jnp.float32) * s
    be2 = jnp.zeros((H,), dtype=jnp.float32)
    # EGNN coord MLP: phi_x(m) -> scalar
    Wc1 = jax.random.normal(ks[8], (H, H), dtype=jnp.float32) * s
    bc1 = jnp.zeros((H,), dtype=jnp.float32)
    Wc2 = jax.random.normal(ks[9], (H, 1), dtype=jnp.float32) * s
    return {"x": x, "z": z, "pos": pos, "edge_index": edge_index, "batch": batch,
            "num_nodes": int(N), "l": jnp.float32(L),
            "W_emb": W_emb, "b_emb": b_emb, "We1": We1, "be1": be1,
            "We2": We2, "be2": be2, "Wc1": Wc1, "bc1": bc1, "Wc2": Wc2}


def reference(x, z, pos, edge_index, batch, num_nodes, l,
              W_emb, b_emb, We1, be1, We2, be2, Wc1, bc1, Wc2):
    # h = emb(cat([x.view(-1,1), z[batch]], -1))
    z_per_node = jnp.take(z, batch, axis=0)
    h_in = jnp.concatenate([x[:, None], z_per_node], axis=-1)
    h = h_in @ W_emb + b_emb

    row = edge_index[0]
    col = edge_index[1]
    # coord differences with periodic minimum-image convention (box length l)
    d = jnp.take(pos, row, axis=0) - jnp.take(pos, col, axis=0)
    d = jnp.where(d > 0.5 * l, d - l, d)
    d = jnp.where(d < -0.5 * l, d + l, d)
    radial = jnp.sum(d * d, axis=-1, keepdims=True)
    # normalize=True
    d_norm = d / (jnp.sqrt(radial) + 1.0)

    # edge model phi_e
    hi = jnp.take(h, row, axis=0)
    hj = jnp.take(h, col, axis=0)
    m = jnp.concatenate([hi, hj, radial], axis=-1)
    m = jax.nn.silu(m @ We1 + be1)
    m = jax.nn.silu(m @ We2 + be2)

    # coord model phi_x with tanh=True
    e = jax.nn.silu(m @ Wc1 + bc1) @ Wc2
    e = jnp.tanh(e) * COORDS_RANGE

    # scatter-add coordinate update to destination nodes
    num_segments_static = x.shape[0]
    agg = jax.ops.segment_sum(d_norm * e, row, num_segments=num_segments_static)
    valid = jnp.arange(num_segments_static) < num_nodes
    agg = jnp.where(valid[:, None], agg, jnp.zeros_like(agg))
    coords = pos + agg

    diff = coords - pos
    diff = jnp.where(diff > 0.5 * l, diff - l, diff)
    diff = jnp.where(diff < -0.5 * l, diff + l, diff)
    return diff

if __name__ == "__main__":
    import jax
    _d = setup_inputs()
    print(jax.jit(kernel)(*tuple(_d.values())))

</pallas_src>

<mosaic_0001>
#map = affine_map<(d0, d1) -> (0, 0)>
#map1 = affine_map<(d0, d1) -> (0)>
module attributes {stable_mosaic.version = 14 : i64} {
  func.func @_gather_body(%arg0: i32, %arg1: i32, %arg2: memref<2x1600000xi32, #tpu.memory_space<hbm>>, %arg3: memref<100000x48xf32, #tpu.memory_space<hbm>>, %arg4: memref<100000x48xf32, #tpu.memory_space<hbm>>, %arg5: memref<16xf32, #tpu.memory_space<hbm>>, %arg6: memref<800000x128xf32, #tpu.memory_space<hbm>>, %arg7: memref<2000xi32, #tpu.memory_space<vmem>>, %arg8: memref<2000xi32, #tpu.memory_space<vmem>>, %arg9: memref<2000x48xf32, #tpu.memory_space<vmem>>, %arg10: memref<16xf32, #tpu.memory_space<vmem>>, %arg11: memref<!tpu.dma_semaphore, #tpu.memory_space<semaphore_mem>>) attributes {dimension_semantics = [#tpu.dimension_semantics<core_parallel>, #tpu.dimension_semantics<subcore_parallel>], iteration_bounds = array<i64: 2, 16>, scalar_prefetch = 0 : i64, scratch_operands = 5 : i64, tpu.core_type = #tpu.core_type<sc_vector_subcore>, window_params = [{transform_indices = #map}, {transform_indices = #map}, {transform_indices = #map}, {transform_indices = #map1}, {transform_indices = #map}]} {
    %mul3A = arith.constant 2 : i32
    %mul3A_0 = arith.muli %arg1, %mul3A : i32
    %add3A = arith.addi %mul3A_0, %arg0 : i32
    %jit3A = arith.constant 16 : i32
    %div3A = arith.divsi %add3A, %jit3A : i32
    %sign3A = arith.constant 0 : i32
    %sign3A_1 = arith.cmpi sgt, %add3A, %sign3A : i32
    %sign3A_2 = arith.extui %sign3A_1 : i1 to i32
    %sign3A_3 = arith.constant 0 : i32
    %sign3A_4 = arith.cmpi slt, %add3A, %sign3A_3 : i32
    %sign3A_5 = arith.extui %sign3A_4 : i1 to i32
    %sign3A_6 = arith.subi %sign3A_2, %sign3A_5 : i32
    %sign3A_7 = arith.constant 0 : i32
    %sign3A_8 = arith.cmpi sgt, %jit3A, %sign3A_7 : i32
    %sign3A_9 = arith.extui %sign3A_8 : i1 to i32
    %sign3A_10 = arith.constant 0 : i32
    %sign3A_11 = arith.cmpi slt, %jit3A, %sign3A_10 : i32
    %sign3A_12 = arith.extui %sign3A_11 : i1 to i32
    %sign3A_13 = arith.subi %sign3A_9, %sign3A_12 : i32
    %ne3A = arith.cmpi ne, %sign3A_6, %sign3A_13 : i32
    %rem3A = arith.remsi %add3A, %jit3A : i32
    %ne3A_14 = arith.constant 0 : i32
    %ne3A_15 = arith.cmpi ne, %rem3A, %ne3A_14 : i32
    %and3A = arith.andi %ne3A, %ne3A_15 : i1
    %sub3A = arith.constant 1 : i32
    %sub3A_16 = arith.subi %div3A, %sub3A : i32
    %select_n3A = arith.select %and3A, %sub3A_16, %div3A : i32
    %mul3A_17 = arith.constant 64 : i32
    %mul3A_18 = arith.muli %select_n3A, %mul3A_17 : i32
    "tpu.region"() ({
      %run_scoped3A = tpu.sem_alloc : memref<!tpu.dma_semaphore, #tpu.memory_space<semaphore_mem>>
      tpu.enqueue_dma source(%arg5 : memref<16xf32, #tpu.memory_space<hbm>>) target(%arg10 : memref<16xf32, #tpu.memory_space<vmem>>) target_semaphore(%run_scoped3A : memref<!tpu.dma_semaphore, #tpu.memory_space<semaphore_mem>>)
      tpu.wait_dma2 semaphore(%run_scoped3A : memref<!tpu.dma_semaphore, #tpu.memory_space<semaphore_mem>>) src(%arg5 : memref<16xf32, #tpu.memory_space<hbm>>) dst(%arg10 : memref<16xf32, #tpu.memory_space<vmem>>)
      tpu.yield
    }) : () -> ()
    %get3A = arith.constant 0 : index
    %get3A_19 = tpu.vector_load %arg10[%get3A] {strides = array<i32>} : memref<16xf32, #tpu.memory_space<vmem>>, vector<16xf32>,
    %iota3A = tpu.iota {dimensions = array<i32: 0>} : vector<16xi32>
    %scan3A = arith.constant 0 : i32
    %scan3A_20 = arith.constant 0 : i32
    %scan3A_21 = arith.constant 25 : i32
    %scan3A_22 = arith.addi %scan3A_20, %scan3A_21 : i32
    %scan3A_23 = arith.constant 1 : i32
    scf.for %scan3A_25 = %scan3A_20 to %scan3A_22 step %scan3A_23  : i32 {
      %mul3A_26 = arith.constant 50000 : i32
      %mul3A_27 = arith.muli %add3A, %mul3A_26 : i32
      %mul3A_28 = arith.constant 2000 : i32
      %mul3A_29 = arith.muli %scan3A_25, %mul3A_28 : i32
      %add3A_30 = arith.addi %mul3A_27, %mul3A_29 : i32
      %mul3A_31 = arith.constant 800000 : i32
      %mul3A_32 = arith.muli %select_n3A, %mul3A_31 : i32
      %sub3A_33 = arith.subi %add3A_30, %mul3A_32 : i32
      %run_scoped3A = arith.constant 0 : i32
      "tpu.region"() ({
        %run_scoped3A_51 = tpu.sem_alloc : memref<!tpu.dma_semaphore, #tpu.memory_space<semaphore_mem>>
        %dma_start3A_52 = tpu.memref_slice %arg2[%run_scoped3A, %add3A_30] : memref<2x1600000xi32, #tpu.memory_space<hbm>> -> memref<1x2000xi32, #tpu.memory_space<hbm>>
        %dma_start3A_53 = tpu.memref_squeeze %dma_start3A_52 : memref<1x2000xi32, #tpu.memory_space<hbm>> -> memref<2000xi32, #tpu.memory_space<hbm>>
        %dma_start3A_54 = tpu.memref_slice %arg2[%run_scoped3A, %add3A_30] : memref<2x1600000xi32, #tpu.memory_space<hbm>> -> memref<1x2000xi32, #tpu.memory_space<hbm>>
        %dma_start3A_55 = tpu.memref_squeeze %dma_start3A_54 : memref<1x2000xi32, #tpu.memory_space<hbm>> -> memref<2000xi32, #tpu.memory_space<hbm>>
        tpu.enqueue_dma source(%dma_start3A_55 : memref<2000xi32, #tpu.memory_space<hbm>>) target(%arg7 : memref<2000xi32, #tpu.memory_space<vmem>>) target_semaphore(%run_scoped3A_51 : memref<!tpu.dma_semaphore, #tpu.memory_space<semaphore_mem>>)
        %dma_wait3A_56 = tpu.memref_slice %arg2[%run_scoped3A, %add3A_30] : memref<2x1600000xi32, #tpu.memory_space<hbm>> -> memref<1x2000xi32, #tpu.memory_space<hbm>>
        %dma_wait3A_57 = tpu.memref_squeeze %dma_wait3A_56 : memref<1x2000xi32, #tpu.memory_space<hbm>> -> memref<2000xi32, #tpu.memory_space<hbm>>
        %dma_wait3A_58 = tpu.memref_slice %arg2[%run_scoped3A, %add3A_30] : memref<2x1600000xi32, #tpu.memory_space<hbm>> -> memref<1x2000xi32, #tpu.memory_space<hbm>>
        %dma_wait3A_59 = tpu.memref_squeeze %dma_wait3A_58 : memref<1x2000xi32, #tpu.memory_space<hbm>> -> memref<2000xi32, #tpu.memory_space<hbm>>
        tpu.wait_dma2 semaphore(%run_scoped3A_51 : memref<!tpu.dma_semaphore, #tpu.memory_space<semaphore_mem>>) src(%dma_wait3A_59 : memref<2000xi32, #tpu.memory_space<hbm>>) dst(%arg7 : memref<2000xi32, #tpu.memory_space<vmem>>)
        tpu.yield
      }) : () -> ()
      %run_scoped3A_34 = arith.constant 1 : i32
      "tpu.region"() ({
        %run_scoped3A_51 = tpu.sem_alloc : memref<!tpu.dma_semaphore, #tpu.memory_space<semaphore_mem>>
        %dma_start3A_52 = tpu.memref_slice %arg2[%run_scoped3A_34, %add3A_30] : memref<2x1600000xi32, #tpu.memory_space<hbm>> -> memref<1x2000xi32, #tpu.memory_space<hbm>>
        %dma_start3A_53 = tpu.memref_squeeze %dma_start3A_52 : memref<1x2000xi32, #tpu.memory_space<hbm>> -> memref<2000xi32, #tpu.memory_space<hbm>>
        %dma_start3A_54 = tpu.memref_slice %arg2[%run_scoped3A_34, %add3A_30] : memref<2x1600000xi32, #tpu.memory_space<hbm>> -> memref<1x2000xi32, #tpu.memory_space<hbm>>
        %dma_start3A_55 = tpu.memref_squeeze %dma_start3A_54 : memref<1x2000xi32, #tpu.memory_space<hbm>> -> memref<2000xi32, #tpu.memory_space<hbm>>
        tpu.enqueue_dma source(%dma_start3A_55 : memref<2000xi32, #tpu.memory_space<hbm>>) target(%arg8 : memref<2000xi32, #tpu.memory_space<vmem>>) target_semaphore(%run_scoped3A_51 : memref<!tpu.dma_semaphore, #tpu.memory_space<semaphore_mem>>)
        %dma_wait3A_56 = tpu.memref_slice %arg2[%run_scoped3A_34, %add3A_30] : memref<2x1600000xi32, #tpu.memory_space<hbm>> -> memref<1x2000xi32, #tpu.memory_space<hbm>>
        %dma_wait3A_57 = tpu.memref_squeeze %dma_wait3A_56 : memref<1x2000xi32, #tpu.memory_space<hbm>> -> memref<2000xi32, #tpu.memory_space<hbm>>
        %dma_wait3A_58 = tpu.memref_slice %arg2[%run_scoped3A_34, %add3A_30] : memref<2x1600000xi32, #tpu.memory_space<hbm>> -> memref<1x2000xi32, #tpu.memory_space<hbm>>
        %dma_wait3A_59 = tpu.memref_squeeze %dma_wait3A_58 : memref<1x2000xi32, #tpu.memory_space<hbm>> -> memref<2000xi32, #tpu.memory_space<hbm>>
        tpu.wait_dma2 semaphore(%run_scoped3A_51 : memref<!tpu.dma_semaphore, #tpu.memory_space<semaphore_mem>>) src(%dma_wait3A_59 : memref<2000xi32, #tpu.memory_space<hbm>>) dst(%arg8 : memref<2000xi32, #tpu.memory_space<vmem>>)
        tpu.yield
      }) : () -> ()
      %dma_start3A = arith.constant 0 : i32
      %dma_start3A_35 = arith.constant 0 : i32
      %dma_start3A_36 = tpu.memref_slice %arg3[%dma_start3A, %dma_start3A_35] : memref<100000x48xf32, #tpu.memory_space<hbm>> -> memref<100000x48xf32, #tpu.memory_space<hbm>>
      tpu.enqueue_indirect_dma source(%dma_start3A_36 : memref<100000x48xf32, #tpu.memory_space<hbm>>) target(%arg9 : memref<2000x48xf32, #tpu.memory_space<vmem>>) offsets(%arg7 : memref<2000xi32, #tpu.memory_space<vmem>>) semaphore(%arg11 : memref<!tpu.dma_semaphore, #tpu.memory_space<semaphore_mem>>)
      %dma_wait3A = arith.constant 0 : i32
      %dma_wait3A_37 = arith.constant 0 : i32
      %dma_wait3A_38 = tpu.memref_slice %arg3[%dma_wait3A, %dma_wait3A_37] : memref<100000x48xf32, #tpu.memory_space<hbm>> -> memref<100000x48xf32, #tpu.memory_space<hbm>>
      tpu.wait_indirect_dma semaphore(%arg11 : memref<!tpu.dma_semaphore, #tpu.memory_space<semaphore_mem>>) src(%dma_wait3A_38 : memref<100000x48xf32, #tpu.memory_space<hbm>>) dst(%arg9 : memref<2000x48xf32, #tpu.memory_space<vmem>>)
      %dma_start3A_39 = arith.constant 0 : i32
      %dma_start3A_40 = arith.constant 0 : i32
      %dma_start3A_41 = tpu.memref_slice %arg4[%dma_start3A_39, %dma_start3A_40] : memref<100000x48xf32, #tpu.memory_space<hbm>> -> memref<100000x48xf32, #tpu.memory_space<hbm>>
      tpu.enqueue_indirect_dma source(%dma_start3A_41 : memref<100000x48xf32, #tpu.memory_space<hbm>>) target(%arg9 : memref<2000x48xf32, #tpu.memory_space<vmem>>) offsets(%arg8 : memref<2000xi32, #tpu.memory_space<vmem>>) semaphore(%arg11 : memref<!tpu.dma_semaphore, #tpu.memory_space<semaphore_mem>>) {add = true}
      %dma_wait3A_42 = arith.constant 0 : i32
      %dma_wait3A_43 = arith.constant 0 : i32
      %dma_wait3A_44 = tpu.memref_slice %arg4[%dma_wait3A_42, %dma_wait3A_43] : memref<100000x48xf32, #tpu.memory_space<hbm>> -> memref<100000x48xf32, #tpu.memory_space<hbm>>
      tpu.wait_indirect_dma semaphore(%arg11 : memref<!tpu.dma_semaphore, #tpu.memory_space<semaphore_mem>>) src(%dma_wait3A_44 : memref<100000x48xf32, #tpu.memory_space<hbm>>) dst(%arg9 : memref<2000x48xf32, #tpu.memory_space<vmem>>)
      %scan3A_45 = arith.constant 0 : i32
      %scan3A_46 = arith.constant 0 : i32
      %scan3A_47 = arith.constant 125 : i32
      %scan3A_48 = arith.addi %scan3A_46, %scan3A_47 : i32
      %scan3A_49 = arith.constant 1 : i32
      scf.for %scan3A_51 = %scan3A_46 to %scan3A_48 step %scan3A_49  : i32 {
        %mul3A_52 = arith.constant 16 : i32
        %mul3A_53 = arith.muli %scan3A_51, %mul3A_52 : i32
        %add3A_54 = vector.broadcast %mul3A_53 : i32 to vector<16xi32>
        %add3A_55 = arith.addi %add3A_54, %iota3A : vector<16xi32>
        %broadcast_in_dim3A = arith.constant 32 : i32
        %broadcast_in_dim3A_56 = vector.broadcast %broadcast_in_dim3A : i32 to vector<16xi32>
        %gather3A = tpu.vector_load_idx %arg9[%add3A_55, %broadcast_in_dim3A_56] : memref<2000x48xf32, #tpu.memory_space<vmem>>[vector<16xi32>, vector<16xi32>], vector<16xf32>,
        %broadcast_in_dim3A_57 = arith.constant 33 : i32
        %broadcast_in_dim3A_58 = vector.broadcast %broadcast_in_dim3A_57 : i32 to vector<16xi32>
        %gather3A_59 = tpu.vector_load_idx %arg9[%add3A_55, %broadcast_in_dim3A_58] : memref<2000x48xf32, #tpu.memory_space<vmem>>[vector<16xi32>, vector<16xi32>], vector<16xf32>,
        %broadcast_in_dim3A_60 = arith.constant 34 : i32
        %broadcast_in_dim3A_61 = vector.broadcast %broadcast_in_dim3A_60 : i32 to vector<16xi32>
        %gather3A_62 = tpu.vector_load_idx %arg9[%add3A_55, %broadcast_in_dim3A_61] : memref<2000x48xf32, #tpu.memory_space<vmem>>[vector<16xi32>, vector<16xi32>], vector<16xf32>,
        %mul3A_63 = arith.constant 5.000000e-01 : f32
        %mul3A_64 = vector.broadcast %mul3A_63 : f32 to vector<16xf32>
        %mul3A_65 = arith.mulf %mul3A_64, %get3A_19 : vector<16xf32>
        %gt3A = arith.cmpf ogt, %gather3A, %mul3A_65 : vector<16xf32>
        %sub3A_66 = arith.subf %gather3A, %get3A_19 : vector<16xf32>
        %select_n3A_67 = arith.select %gt3A, %sub3A_66, %gather3A : vector<16xi1>, vector<16xf32>
        %mul3A_68 = arith.constant -5.000000e-01 : f32
        %mul3A_69 = vector.broadcast %mul3A_68 : f32 to vector<16xf32>
        %mul3A_70 = arith.mulf %mul3A_69, %get3A_19 : vector<16xf32>
        %lt3A = arith.cmpf olt, %select_n3A_67, %mul3A_70 : vector<16xf32>
        %add3A_71 = arith.addf %select_n3A_67, %get3A_19 : vector<16xf32>
        %select_n3A_72 = arith.select %lt3A, %add3A_71, %select_n3A_67 : vector<16xi1>, vector<16xf32>
        %mul3A_73 = arith.constant 5.000000e-01 : f32
        %mul3A_74 = vector.broadcast %mul3A_73 : f32 to vector<16xf32>
        %mul3A_75 = arith.mulf %mul3A_74, %get3A_19 : vector<16xf32>
        %gt3A_76 = arith.cmpf ogt, %gather3A_59, %mul3A_75 : vector<16xf32>
        %sub3A_77 = arith.subf %gather3A_59, %get3A_19 : vector<16xf32>
        %select_n3A_78 = arith.select %gt3A_76, %sub3A_77, %gather3A_59 : vector<16xi1>, vector<16xf32>
        %mul3A_79 = arith.constant -5.000000e-01 : f32
        %mul3A_80 = vector.broadcast %mul3A_79 : f32 to vector<16xf32>
        %mul3A_81 = arith.mulf %mul3A_80, %get3A_19 : vector<16xf32>
        %lt3A_82 = arith.cmpf olt, %select_n3A_78, %mul3A_81 : vector<16xf32>
        %add3A_83 = arith.addf %select_n3A_78, %get3A_19 : vector<16xf32>
        %select_n3A_84 = arith.select %lt3A_82, %add3A_83, %select_n3A_78 : vector<16xi1>, vector<16xf32>
        %mul3A_85 = arith.constant 5.000000e-01 : f32
        %mul3A_86 = vector.broadcast %mul3A_85 : f32 to vector<16xf32>
        %mul3A_87 = arith.mulf %mul3A_86, %get3A_19 : vector<16xf32>
        %gt3A_88 = arith.cmpf ogt, %gather3A_62, %mul3A_87 : vector<16xf32>
        %sub3A_89 = arith.subf %gather3A_62, %get3A_19 : vector<16xf32>
        %select_n3A_90 = arith.select %gt3A_88, %sub3A_89, %gather3A_62 : vector<16xi1>, vector<16xf32>
        %mul3A_91 = arith.constant -5.000000e-01 : f32
        %mul3A_92 = vector.broadcast %mul3A_91 : f32 to vector<16xf32>
        %mul3A_93 = arith.mulf %mul3A_92, %get3A_19 : vector<16xf32>
        %lt3A_94 = arith.cmpf olt, %select_n3A_90, %mul3A_93 : vector<16xf32>
        %add3A_95 = arith.addf %select_n3A_90, %get3A_19 : vector<16xf32>
        %select_n3A_96 = arith.select %lt3A_94, %add3A_95, %select_n3A_90 : vector<16xi1>, vector<16xf32>
        %mul3A_97 = arith.mulf %select_n3A_72, %select_n3A_72 : vector<16xf32>
        %mul3A_98 = arith.mulf %select_n3A_84, %select_n3A_84 : vector<16xf32>
        %add3A_99 = arith.addf %mul3A_97, %mul3A_98 : vector<16xf32>
        %mul3A_100 = arith.mulf %select_n3A_96, %select_n3A_96 : vector<16xf32>
        %add3A_101 = arith.addf %add3A_99, %mul3A_100 : vector<16xf32>
        %broadcast_in_dim3A_102 = arith.constant 32 : i32
        %broadcast_in_dim3A_103 = vector.broadcast %broadcast_in_dim3A_102 : i32 to vector<16xi32>
        tpu.vector_store_idx %arg9[%add3A_55, %broadcast_in_dim3A_103], %select_n3A_72 : memref<2000x48xf32, #tpu.memory_space<vmem>>[vector<16xi32>, vector<16xi32>], vector<16xf32>,
        %broadcast_in_dim3A_104 = arith.constant 33 : i32
        %broadcast_in_dim3A_105 = vector.broadcast %broadcast_in_dim3A_104 : i32 to vector<16xi32>
        tpu.vector_store_idx %arg9[%add3A_55, %broadcast_in_dim3A_105], %select_n3A_84 : memref<2000x48xf32, #tpu.memory_space<vmem>>[vector<16xi32>, vector<16xi32>], vector<16xf32>,
        %broadcast_in_dim3A_106 = arith.constant 34 : i32
        %broadcast_in_dim3A_107 = vector.broadcast %broadcast_in_dim3A_106 : i32 to vector<16xi32>
        tpu.vector_store_idx %arg9[%add3A_55, %broadcast_in_dim3A_107], %select_n3A_96 : memref<2000x48xf32, #tpu.memory_space<vmem>>[vector<16xi32>, vector<16xi32>], vector<16xf32>,
        %broadcast_in_dim3A_108 = arith.constant 35 : i32
        %broadcast_in_dim3A_109 = vector.broadcast %broadcast_in_dim3A_108 : i32 to vector<16xi32>
        tpu.vector_store_idx %arg9[%add3A_55, %broadcast_in_dim3A_109], %add3A_101 : memref<2000x48xf32, #tpu.memory_space<vmem>>[vector<16xi32>, vector<16xi32>], vector<16xf32>,
        %broadcast_in_dim3A_110 = arith.constant 36 : i32
        %broadcast_in_dim3A_111 = vector.broadcast %broadcast_in_dim3A_110 : i32 to vector<16xi32>
        tpu.vector_store_idx %arg9[%add3A_55, %broadcast_in_dim3A_111], %add3A_101 : memref<2000x48xf32, #tpu.memory_space<vmem>>[vector<16xi32>, vector<16xi32>], vector<16xf32>,
        %broadcast_in_dim3A_112 = arith.constant 37 : i32
        %broadcast_in_dim3A_113 = vector.broadcast %broadcast_in_dim3A_112 : i32 to vector<16xi32>
        tpu.vector_store_idx %arg9[%add3A_55, %broadcast_in_dim3A_113], %add3A_101 : memref<2000x48xf32, #tpu.memory_space<vmem>>[vector<16xi32>, vector<16xi32>], vector<16xf32>,
        %broadcast_in_dim3A_114 = arith.constant 38 : i32
        %broadcast_in_dim3A_115 = vector.broadcast %broadcast_in_dim3A_114 : i32 to vector<16xi32>
        tpu.vector_store_idx %arg9[%add3A_55, %broadcast_in_dim3A_115], %add3A_101 : memref<2000x48xf32, #tpu.memory_space<vmem>>[vector<16xi32>, vector<16xi32>], vector<16xf32>,
      }
      %scan3A_50 = arith.constant 125 : i32
      "tpu.region"() ({
        %run_scoped3A_51 = tpu.sem_alloc : memref<!tpu.dma_semaphore, #tpu.memory_space<semaphore_mem>>
        %dma_start3A_52 = tpu.memref_slice %arg6[%sub3A_33, %mul3A_18] : memref<800000x128xf32, #tpu.memory_space<hbm>> -> memref<2000x48xf32, #tpu.memory_space<hbm>>
        %dma_start3A_53 = tpu.memref_slice %arg6[%sub3A_33, %mul3A_18] : memref<800000x128xf32, #tpu.memory_space<hbm>> -> memref<2000x48xf32, #tpu.memory_space<hbm>>
        tpu.enqueue_dma source(%arg9 : memref<2000x48xf32, #tpu.memory_space<vmem>>) target(%dma_start3A_53 : memref<2000x48xf32, #tpu.memory_space<hbm>>) target_semaphore(%run_scoped3A_51 : memref<!tpu.dma_semaphore, #tpu.memory_space<semaphore_mem>>)
        %dma_wait3A_54 = tpu.memref_slice %arg6[%sub3A_33, %mul3A_18] : memref<800000x128xf32, #tpu.memory_space<hbm>> -> memref<2000x48xf32, #tpu.memory_space<hbm>>
        %dma_wait3A_55 = tpu.memref_slice %arg6[%sub3A_33, %mul3A_18] : memref<800000x128xf32, #tpu.memory_space<hbm>> -> memref<2000x48xf32, #tpu.memory_space<hbm>>
        tpu.wait_dma2 semaphore(%run_scoped3A_51 : memref<!tpu.dma_semaphore, #tpu.memory_space<semaphore_mem>>) src(%arg9 : memref<2000x48xf32, #tpu.memory_space<vmem>>) dst(%dma_wait3A_55 : memref<2000x48xf32, #tpu.memory_space<hbm>>)
        tpu.yield
      }) : () -> ()
    }
    %scan3A_24 = arith.constant 25 : i32
    return
  }
}

#map = affine_map<(d0, d1) -> (0, 0)>
#map1 = affine_map<(d0, d1) -> (0, 0, 0)>
module attributes {stable_mosaic.version = 14 : i64} {
  func.func @_scatter_body(%arg0: i32, %arg1: i32, %arg2: memref<2x1600000xi32, #tpu.memory_space<hbm>>, %arg3: memref<800000x8xf32, #tpu.memory_space<hbm>>, %arg4: memref<800000x8xf32, #tpu.memory_space<hbm>>, %arg5: memref<100000x8xf32, #tpu.memory_space<hbm>>, %arg6: memref<2x100000x8xf32, #tpu.memory_space<hbm>>, %arg7: memref<1000xi32, #tpu.memory_space<vmem>>, %arg8: memref<1000x8xf32, #tpu.memory_space<vmem>>, %arg9: memref<100000x8xf32, #tpu.memory_space<vmem_shared>>) attributes {dimension_semantics = [#tpu.dimension_semantics<core_parallel>, #tpu.dimension_semantics<subcore_parallel>], iteration_bounds = array<i64: 2, 16>, scalar_prefetch = 0 : i64, scratch_operands = 3 : i64, tpu.core_type = #tpu.core_type<sc_vector_subcore>, window_params = [{transform_indices = #map}, {transform_indices = #map}, {transform_indices = #map}, {transform_indices = #map}, {transform_indices = #map1}]} {
    %mul3A = arith.constant 2 : i32
    %mul3A_0 = arith.muli %arg1, %mul3A : i32
    %add3A = arith.addi %mul3A_0, %arg0 : i32
    %mul3A_1 = arith.constant 25000 : i32
    %mul3A_2 = arith.muli %add3A, %mul3A_1 : i32
    %mul3A_3 = arith.constant 6250 : i32
    %mul3A_4 = arith.muli %arg1, %mul3A_3 : i32
    %mul3A_5 = arith.constant 6250 : i32
    %mul3A_6 = arith.muli %arg1, %mul3A_5 : i32
    "tpu.region"() ({
      %run_scoped3A = tpu.sem_alloc : memref<!tpu.dma_semaphore, #tpu.memory_space<semaphore_mem>>
      %dma_start3A = arith.constant 0 : i32
      %dma_start3A_23 = tpu.memref_slice %arg9[%mul3A_6, %dma_start3A] : memref<100000x8xf32, #tpu.memory_space<vmem_shared>> -> memref<6250x8xf32, #tpu.memory_space<vmem_shared>>
      %dma_start3A_24 = arith.constant 0 : i32
      %dma_start3A_25 = tpu.memref_slice %arg5[%mul3A_4, %dma_start3A_24] : memref<100000x8xf32, #tpu.memory_space<hbm>> -> memref<6250x8xf32, #tpu.memory_space<hbm>>
      tpu.enqueue_dma source(%dma_start3A_25 : memref<6250x8xf32, #tpu.memory_space<hbm>>) target(%dma_start3A_23 : memref<6250x8xf32, #tpu.memory_space<vmem_shared>>) target_semaphore(%run_scoped3A : memref<!tpu.dma_semaphore, #tpu.memory_space<semaphore_mem>>)
      %dma_wait3A = arith.constant 0 : i32
      %dma_wait3A_26 = tpu.memref_slice %arg9[%mul3A_6, %dma_wait3A] : memref<100000x8xf32, #tpu.memory_space<vmem_shared>> -> memref<6250x8xf32, #tpu.memory_space<vmem_shared>>
      %dma_wait3A_27 = arith.constant 0 : i32
      %dma_wait3A_28 = tpu.memref_slice %arg5[%mul3A_4, %dma_wait3A_27] : memref<100000x8xf32, #tpu.memory_space<hbm>> -> memref<6250x8xf32, #tpu.memory_space<hbm>>
      tpu.wait_dma2 semaphore(%run_scoped3A : memref<!tpu.dma_semaphore, #tpu.memory_space<semaphore_mem>>) src(%dma_wait3A_28 : memref<6250x8xf32, #tpu.memory_space<hbm>>) dst(%dma_wait3A_26 : memref<6250x8xf32, #tpu.memory_space<vmem_shared>>)
      tpu.yield
    }) : () -> ()
    %barrier3A = arith.constant 0 : index
    tpu.barrier barrier_id(%barrier3A)
    %scan3A = arith.constant 0 : i32
    %scan3A_7 = arith.constant 0 : i32
    %scan3A_8 = arith.constant 25 : i32
    %scan3A_9 = arith.addi %scan3A_7, %scan3A_8 : i32
    %scan3A_10 = arith.constant 1 : i32
    scf.for %scan3A_23 = %scan3A_7 to %scan3A_9 step %scan3A_10  : i32 {
      %mul3A_24 = arith.constant 1000 : i32
      %mul3A_25 = arith.muli %scan3A_23, %mul3A_24 : i32
      %add3A_26 = arith.addi %mul3A_2, %mul3A_25 : i32
      %add3A_27 = arith.constant 0 : i32
      %add3A_28 = arith.addi %add3A_27, %add3A_26 : i32
      %run_scoped3A = arith.constant 0 : i32
      "tpu.region"() ({
        %run_scoped3A_29 = tpu.sem_alloc : memref<!tpu.dma_semaphore, #tpu.memory_space<semaphore_mem>>
        %dma_start3A = tpu.memref_slice %arg2[%run_scoped3A, %add3A_28] : memref<2x1600000xi32, #tpu.memory_space<hbm>> -> memref<1x1000xi32, #tpu.memory_space<hbm>>
        %dma_start3A_30 = tpu.memref_squeeze %dma_start3A : memref<1x1000xi32, #tpu.memory_space<hbm>> -> memref<1000xi32, #tpu.memory_space<hbm>>
        %dma_start3A_31 = tpu.memref_slice %arg2[%run_scoped3A, %add3A_28] : memref<2x1600000xi32, #tpu.memory_space<hbm>> -> memref<1x1000xi32, #tpu.memory_space<hbm>>
        %dma_start3A_32 = tpu.memref_squeeze %dma_start3A_31 : memref<1x1000xi32, #tpu.memory_space<hbm>> -> memref<1000xi32, #tpu.memory_space<hbm>>
        tpu.enqueue_dma source(%dma_start3A_32 : memref<1000xi32, #tpu.memory_space<hbm>>) target(%arg7 : memref<1000xi32, #tpu.memory_space<vmem>>) target_semaphore(%run_scoped3A_29 : memref<!tpu.dma_semaphore, #tpu.memory_space<semaphore_mem>>)
        %dma_wait3A = tpu.memref_slice %arg2[%run_scoped3A, %add3A_28] : memref<2x1600000xi32, #tpu.memory_space<hbm>> -> memref<1x1000xi32, #tpu.memory_space<hbm>>
        %dma_wait3A_33 = tpu.memref_squeeze %dma_wait3A : memref<1x1000xi32, #tpu.memory_space<hbm>> -> memref<1000xi32, #tpu.memory_space<hbm>>
        %dma_wait3A_34 = tpu.memref_slice %arg2[%run_scoped3A, %add3A_28] : memref<2x1600000xi32, #tpu.memory_space<hbm>> -> memref<1x1000xi32, #tpu.memory_space<hbm>>
        %dma_wait3A_35 = tpu.memref_squeeze %dma_wait3A_34 : memref<1x1000xi32, #tpu.memory_space<hbm>> -> memref<1000xi32, #tpu.memory_space<hbm>>
        tpu.wait_dma2 semaphore(%run_scoped3A_29 : memref<!tpu.dma_semaphore, #tpu.memory_space<semaphore_mem>>) src(%dma_wait3A_35 : memref<1000xi32, #tpu.memory_space<hbm>>) dst(%arg7 : memref<1000xi32, #tpu.memory_space<vmem>>)
        tpu.yield
      }) : () -> ()
      "tpu.region"() ({
        %run_scoped3A_29 = tpu.sem_alloc : memref<!tpu.dma_semaphore, #tpu.memory_space<semaphore_mem>>
        %dma_start3A = arith.constant 0 : i32
        %dma_start3A_30 = tpu.memref_slice %arg3[%add3A_26, %dma_start3A] : memref<800000x8xf32, #tpu.memory_space<hbm>> -> memref<1000x8xf32, #tpu.memory_space<hbm>>
        %dma_start3A_31 = arith.constant 0 : i32
        %dma_start3A_32 = tpu.memref_slice %arg3[%add3A_26, %dma_start3A_31] : memref<800000x8xf32, #tpu.memory_space<hbm>> -> memref<1000x8xf32, #tpu.memory_space<hbm>>
        tpu.enqueue_dma source(%dma_start3A_32 : memref<1000x8xf32, #tpu.memory_space<hbm>>) target(%arg8 : memref<1000x8xf32, #tpu.memory_space<vmem>>) target_semaphore(%run_scoped3A_29 : memref<!tpu.dma_semaphore, #tpu.memory_space<semaphore_mem>>)
        %dma_wait3A = arith.constant 0 : i32
        %dma_wait3A_33 = tpu.memref_slice %arg3[%add3A_26, %dma_wait3A] : memref<800000x8xf32, #tpu.memory_space<hbm>> -> memref<1000x8xf32, #tpu.memory_space<hbm>>
        %dma_wait3A_34 = arith.constant 0 : i32
        %dma_wait3A_35 = tpu.memref_slice %arg3[%add3A_26, %dma_wait3A_34] : memref<800000x8xf32, #tpu.memory_space<hbm>> -> memref<1000x8xf32, #tpu.memory_space<hbm>>
        tpu.wait_dma2 semaphore(%run_scoped3A_29 : memref<!tpu.dma_semaphore, #tpu.memory_space<semaphore_mem>>) src(%dma_wait3A_35 : memref<1000x8xf32, #tpu.memory_space<hbm>>) dst(%arg8 : memref<1000x8xf32, #tpu.memory_space<vmem>>)
        tpu.yield
      }) : () -> ()
      "tpu.region"() ({
        %run_scoped3A_29 = tpu.sem_alloc : memref<!tpu.dma_semaphore, #tpu.memory_space<semaphore_mem>>
        %dma_start3A = arith.constant 0 : i32
        %dma_start3A_30 = arith.constant 0 : i32
        %dma_start3A_31 = tpu.memref_slice %arg9[%dma_start3A, %dma_start3A_30] : memref<100000x8xf32, #tpu.memory_space<vmem_shared>> -> memref<100000x8xf32, #tpu.memory_space<vmem_shared>>
        tpu.enqueue_indirect_dma source(%arg8 : memref<1000x8xf32, #tpu.memory_space<vmem>>) target(%dma_start3A_31 : memref<100000x8xf32, #tpu.memory_space<vmem_shared>>) offsets(%arg7 : memref<1000xi32, #tpu.memory_space<vmem>>) semaphore(%run_scoped3A_29 : memref<!tpu.dma_semaphore, #tpu.memory_space<semaphore_mem>>) {add = true}
        %dma_wait3A = arith.constant 0 : i32
        %dma_wait3A_32 = arith.constant 0 : i32
        %dma_wait3A_33 = tpu.memref_slice %arg9[%dma_wait3A, %dma_wait3A_32] : memref<100000x8xf32, #tpu.memory_space<vmem_shared>> -> memref<100000x8xf32, #tpu.memory_space<vmem_shared>>
        tpu.wait_indirect_dma semaphore(%run_scoped3A_29 : memref<!tpu.dma_semaphore, #tpu.memory_space<semaphore_mem>>) src(%arg8 : memref<1000x8xf32, #tpu.memory_space<vmem>>) dst(%dma_wait3A_33 : memref<100000x8xf32, #tpu.memory_space<vmem_shared>>)
        tpu.yield
      }) : () -> ()
    }
    %scan3A_11 = arith.constant 25 : i32
    %scan3A_12 = arith.constant 0 : i32
    %scan3A_13 = arith.constant 0 : i32
    %scan3A_14 = arith.constant 25 : i32
    %scan3A_15 = arith.addi %scan3A_13, %scan3A_14 : i32
    %scan3A_16 = arith.constant 1 : i32
    scf.for %scan3A_23 = %scan3A_13 to %scan3A_15 step %scan3A_16  : i32 {
      %mul3A_24 = arith.constant 1000 : i32
      %mul3A_25 = arith.muli %scan3A_23, %mul3A_24 : i32
      %add3A_26 = arith.addi %mul3A_2, %mul3A_25 : i32
      %add3A_27 = arith.constant 800000 : i32
      %add3A_28 = arith.addi %add3A_27, %add3A_26 : i32
      %run_scoped3A = arith.constant 0 : i32
      "tpu.region"() ({
        %run_scoped3A_29 = tpu.sem_alloc : memref<!tpu.dma_semaphore, #tpu.memory_space<semaphore_mem>>
        %dma_start3A = tpu.memref_slice %arg2[%run_scoped3A, %add3A_28] : memref<2x1600000xi32, #tpu.memory_space<hbm>> -> memref<1x1000xi32, #tpu.memory_space<hbm>>
        %dma_start3A_30 = tpu.memref_squeeze %dma_start3A : memref<1x1000xi32, #tpu.memory_space<hbm>> -> memref<1000xi32, #tpu.memory_space<hbm>>
        %dma_start3A_31 = tpu.memref_slice %arg2[%run_scoped3A, %add3A_28] : memref<2x1600000xi32, #tpu.memory_space<hbm>> -> memref<1x1000xi32, #tpu.memory_space<hbm>>
        %dma_start3A_32 = tpu.memref_squeeze %dma_start3A_31 : memref<1x1000xi32, #tpu.memory_space<hbm>> -> memref<1000xi32, #tpu.memory_space<hbm>>
        tpu.enqueue_dma source(%dma_start3A_32 : memref<1000xi32, #tpu.memory_space<hbm>>) target(%arg7 : memref<1000xi32, #tpu.memory_space<vmem>>) target_semaphore(%run_scoped3A_29 : memref<!tpu.dma_semaphore, #tpu.memory_space<semaphore_mem>>)
        %dma_wait3A = tpu.memref_slice %arg2[%run_scoped3A, %add3A_28] : memref<2x1600000xi32, #tpu.memory_space<hbm>> -> memref<1x1000xi32, #tpu.memory_space<hbm>>
        %dma_wait3A_33 = tpu.memref_squeeze %dma_wait3A : memref<1x1000xi32, #tpu.memory_space<hbm>> -> memref<1000xi32, #tpu.memory_space<hbm>>
        %dma_wait3A_34 = tpu.memref_slice %arg2[%run_scoped3A, %add3A_28] : memref<2x1600000xi32, #tpu.memory_space<hbm>> -> memref<1x1000xi32, #tpu.memory_space<hbm>>
        %dma_wait3A_35 = tpu.memref_squeeze %dma_wait3A_34 : memref<1x1000xi32, #tpu.memory_space<hbm>> -> memref<1000xi32, #tpu.memory_space<hbm>>
        tpu.wait_dma2 semaphore(%run_scoped3A_29 : memref<!tpu.dma_semaphore, #tpu.memory_space<semaphore_mem>>) src(%dma_wait3A_35 : memref<1000xi32, #tpu.memory_space<hbm>>) dst(%arg7 : memref<1000xi32, #tpu.memory_space<vmem>>)
        tpu.yield
      }) : () -> ()
      "tpu.region"() ({
        %run_scoped3A_29 = tpu.sem_alloc : memref<!tpu.dma_semaphore, #tpu.memory_space<semaphore_mem>>
        %dma_start3A = arith.constant 0 : i32
        %dma_start3A_30 = tpu.memref_slice %arg4[%add3A_26, %dma_start3A] : memref<800000x8xf32, #tpu.memory_space<hbm>> -> memref<1000x8xf32, #tpu.memory_space<hbm>>
        %dma_start3A_31 = arith.constant 0 : i32
        %dma_start3A_32 = tpu.memref_slice %arg4[%add3A_26, %dma_start3A_31] : memref<800000x8xf32, #tpu.memory_space<hbm>> -> memref<1000x8xf32, #tpu.memory_space<hbm>>
        tpu.enqueue_dma source(%dma_start3A_32 : memref<1000x8xf32, #tpu.memory_space<hbm>>) target(%arg8 : memref<1000x8xf32, #tpu.memory_space<vmem>>) target_semaphore(%run_scoped3A_29 : memref<!tpu.dma_semaphore, #tpu.memory_space<semaphore_mem>>)
        %dma_wait3A = arith.constant 0 : i32
        %dma_wait3A_33 = tpu.memref_slice %arg4[%add3A_26, %dma_wait3A] : memref<800000x8xf32, #tpu.memory_space<hbm>> -> memref<1000x8xf32, #tpu.memory_space<hbm>>
        %dma_wait3A_34 = arith.constant 0 : i32
        %dma_wait3A_35 = tpu.memref_slice %arg4[%add3A_26, %dma_wait3A_34] : memref<800000x8xf32, #tpu.memory_space<hbm>> -> memref<1000x8xf32, #tpu.memory_space<hbm>>
        tpu.wait_dma2 semaphore(%run_scoped3A_29 : memref<!tpu.dma_semaphore, #tpu.memory_space<semaphore_mem>>) src(%dma_wait3A_35 : memref<1000x8xf32, #tpu.memory_space<hbm>>) dst(%arg8 : memref<1000x8xf32, #tpu.memory_space<vmem>>)
        tpu.yield
      }) : () -> ()
      "tpu.region"() ({
        %run_scoped3A_29 = tpu.sem_alloc : memref<!tpu.dma_semaphore, #tpu.memory_space<semaphore_mem>>
        %dma_start3A = arith.constant 0 : i32
        %dma_start3A_30 = arith.constant 0 : i32
        %dma_start3A_31 = tpu.memref_slice %arg9[%dma_start3A, %dma_start3A_30] : memref<100000x8xf32, #tpu.memory_space<vmem_shared>> -> memref<100000x8xf32, #tpu.memory_space<vmem_shared>>
        tpu.enqueue_indirect_dma source(%arg8 : memref<1000x8xf32, #tpu.memory_space<vmem>>) target(%dma_start3A_31 : memref<100000x8xf32, #tpu.memory_space<vmem_shared>>) offsets(%arg7 : memref<1000xi32, #tpu.memory_space<vmem>>) semaphore(%run_scoped3A_29 : memref<!tpu.dma_semaphore, #tpu.memory_space<semaphore_mem>>) {add = true}
        %dma_wait3A = arith.constant 0 : i32
        %dma_wait3A_32 = arith.constant 0 : i32
        %dma_wait3A_33 = tpu.memref_slice %arg9[%dma_wait3A, %dma_wait3A_32] : memref<100000x8xf32, #tpu.memory_space<vmem_shared>> -> memref<100000x8xf32, #tpu.memory_space<vmem_shared>>
        tpu.wait_indirect_dma semaphore(%run_scoped3A_29 : memref<!tpu.dma_semaphore, #tpu.memory_space<semaphore_mem>>) src(%arg8 : memref<1000x8xf32, #tpu.memory_space<vmem>>) dst(%dma_wait3A_33 : memref<100000x8xf32, #tpu.memory_space<vmem_shared>>)
        tpu.yield
      }) : () -> ()
    }
    %scan3A_17 = arith.constant 25 : i32
    %barrier3A_18 = arith.constant 0 : index
    tpu.barrier barrier_id(%barrier3A_18)
    %mul3A_19 = arith.constant 6250 : i32
    %mul3A_20 = arith.muli %arg1, %mul3A_19 : i32
    %mul3A_21 = arith.constant 6250 : i32
    %mul3A_22 = arith.muli %arg1, %mul3A_21 : i32
    "tpu.region"() ({
      %run_scoped3A = tpu.sem_alloc : memref<!tpu.dma_semaphore, #tpu.memory_space<semaphore_mem>>
      %dma_start3A = arith.constant 0 : i32
      %dma_start3A_23 = tpu.memref_slice %arg6[%arg0, %mul3A_22, %dma_start3A] : memref<2x100000x8xf32, #tpu.memory_space<hbm>> -> memref<1x6250x8xf32, #tpu.memory_space<hbm>>
      %dma_start3A_24 = tpu.memref_squeeze %dma_start3A_23 : memref<1x6250x8xf32, #tpu.memory_space<hbm>> -> memref<6250x8xf32, #tpu.memory_space<hbm>>
      %dma_start3A_25 = arith.constant 0 : i32
      %dma_start3A_26 = tpu.memref_slice %arg9[%mul3A_20, %dma_start3A_25] : memref<100000x8xf32, #tpu.memory_space<vmem_shared>> -> memref<6250x8xf32, #tpu.memory_space<vmem_shared>>
      tpu.enqueue_dma source(%dma_start3A_26 : memref<6250x8xf32, #tpu.memory_space<vmem_shared>>) target(%dma_start3A_24 : memref<6250x8xf32, #tpu.memory_space<hbm>>) target_semaphore(%run_scoped3A : memref<!tpu.dma_semaphore, #tpu.memory_space<semaphore_mem>>)
      %dma_wait3A = arith.constant 0 : i32
      %dma_wait3A_27 = tpu.memref_slice %arg6[%arg0, %mul3A_22, %dma_wait3A] : memref<2x100000x8xf32, #tpu.memory_space<hbm>> -> memref<1x6250x8xf32, #tpu.memory_space<hbm>>
      %dma_wait3A_28 = tpu.memref_squeeze %dma_wait3A_27 : memref<1x6250x8xf32, #tpu.memory_space<hbm>> -> memref<6250x8xf32, #tpu.memory_space<hbm>>
      %dma_wait3A_29 = arith.constant 0 : i32
      %dma_wait3A_30 = tpu.memref_slice %arg9[%mul3A_20, %dma_wait3A_29] : memref<100000x8xf32, #tpu.memory_space<vmem_shared>> -> memref<6250x8xf32, #tpu.memory_space<vmem_shared>>
      tpu.wait_dma2 semaphore(%run_scoped3A : memref<!tpu.dma_semaphore, #tpu.memory_space<semaphore_mem>>) src(%dma_wait3A_30 : memref<6250x8xf32, #tpu.memory_space<vmem_shared>>) dst(%dma_wait3A_28 : memref<6250x8xf32, #tpu.memory_space<hbm>>)
      tpu.yield
    }) : () -> ()
    return
  }
}

module attributes {stable_mosaic.version = 14 : i64} {
  func.func @_node_body(%arg0: i32, %arg1: memref<1000x1xf32, #tpu.memory_space<vmem>>, %arg2: memref<1000x1xi32, #tpu.memory_space<vmem>>, %arg3: memref<1000x3xf32, #tpu.memory_space<vmem>>, %arg4: memref<64x32xf32, #tpu.memory_space<vmem>>, %arg5: memref<33x32xf32, #tpu.memory_space<vmem>>, %arg6: memref<1x32xf32, #tpu.memory_space<vmem>>, %arg7: memref<65x32xf32, #tpu.memory_space<vmem>>, %arg8: memref<1x32xf32, #tpu.memory_space<vmem>>, %arg9: memref<1000x48xf32, #tpu.memory_space<vmem>>, %arg10: memref<1000x48xf32, #tpu.memory_space<vmem>>) attributes {dimension_semantics = [#tpu.dimension_semantics<arbitrary>], iteration_bounds = array<i64: 100>, scalar_prefetch = 0 : i64, scratch_operands = 0 : i64, tpu.core_type = #tpu.core_type<tc>, window_params = [{transform_indices = @transform_0, window_bounds = array<i64: 1000, 1>}, {transform_indices = @transform_1, window_bounds = array<i64: 1000, 1>}, {transform_indices = @transform_2, window_bounds = array<i64: 1000, 3>}, {pipeline_mode = #tpu.pipeline_mode<synchronous>, transform_indices = @transform_3, window_bounds = array<i64: 64, 32>}, {pipeline_mode = #tpu.pipeline_mode<synchronous>, transform_indices = @transform_4, window_bounds = array<i64: 33, 32>}, {pipeline_mode = #tpu.pipeline_mode<synchronous>, transform_indices = @transform_5, window_bounds = array<i64: 1, 32>}, {pipeline_mode = #tpu.pipeline_mode<synchronous>, transform_indices = @transform_6, window_bounds = array<i64: 65, 32>}, {pipeline_mode = #tpu.pipeline_mode<synchronous>, transform_indices = @transform_7, window_bounds = array<i64: 1, 32>}, {transform_indices = @transform_8, window_bounds = array<i64: 1000, 48>}, {transform_indices = @transform_9, window_bounds = array<i64: 1000, 48>}]} {
    %get3A = arith.constant 0 : index
    %get3A_0 = arith.constant 0 : index
    %get3A_1 = vector.load %arg4[%get3A, %get3A_0] : memref<64x32xf32, #tpu.memory_space<vmem>>, vector<64x32xf32>
    %get3A_2 = arith.constant 0 : index
    %get3A_3 = arith.constant 0 : index
    %get3A_4 = vector.load %arg5[%get3A_2, %get3A_3] : memref<33x32xf32, #tpu.memory_space<vmem>>, vector<33x32xf32>
    %slice3A = vector.extract_strided_slice %get3A_4 {offsets = [1, 0], sizes = [32, 32], strides = [1, 1]} : vector<33x32xf32> to vector<32x32xf32>
    %dot_general3A = arith.constant dense<0.000000e+00> : vector<64x32xf32>
    %dot_general3A_5 = tpu.matmul %get3A_1, %slice3A, %dot_general3A {dimension_numbers = #tpu.dot_dimension_numbers<[1], [0], [0], [1], [0, 0, 1, 1], [], []>, transpose_lhs_hint = false} : vector<64x32xf32>, vector<32x32xf32>, vector<64x32xf32> -> vector<64x32xf32>
    %get3A_6 = arith.constant 0 : index
    %get3A_7 = arith.constant 0 : index
    %get3A_8 = vector.load %arg2[%get3A_6, %get3A_7] : memref<1000x1xi32, #tpu.memory_space<vmem>>, vector<1000x1xi32>
    %iota3A = tpu.iota {dimensions = array<i32: 1>} : vector<1000x64xi32>
    %eq3A = vector.broadcast %get3A_8 : vector<1000x1xi32> to vector<1000x64xi32>
    %eq3A_9 = arith.cmpi eq, %eq3A, %iota3A : vector<1000x64xi32>
    %get3A_10 = arith.constant 0 : index
    %get3A_11 = arith.constant 0 : index
    %get3A_12 = vector.load %arg1[%get3A_10, %get3A_11] : memref<1000x1xf32, #tpu.memory_space<vmem>>, vector<1000x1xf32>
    %slice3A_13 = vector.extract_strided_slice %get3A_4 {offsets = [0, 0], sizes = [1, 32], strides = [1, 1]} : vector<33x32xf32> to vector<1x32xf32>
    %mul3A = vector.broadcast %get3A_12 : vector<1000x1xf32> to vector<1000x32xf32>
    %mul3A_14 = vector.broadcast %slice3A_13 : vector<1x32xf32> to vector<1000x32xf32>
    %mul3A_15 = arith.mulf %mul3A, %mul3A_14 : vector<1000x32xf32>
    %convert_element_type3A = arith.extui %eq3A_9 : vector<1000x64xi1> to vector<1000x64xi32>
    %convert_element_type3A_16 = arith.sitofp %convert_element_type3A : vector<1000x64xi32> to vector<1000x64xf32>
    %dot_general3A_17 = arith.constant dense<0.000000e+00> : vector<1000x32xf32>
    %dot_general3A_18 = tpu.matmul %convert_element_type3A_16, %dot_general3A_5, %dot_general3A_17 {dimension_numbers = #tpu.dot_dimension_numbers<[1], [0], [0], [1], [0, 0, 1, 1], [], []>, transpose_lhs_hint = false} : vector<1000x64xf32>, vector<64x32xf32>, vector<1000x32xf32> -> vector<1000x32xf32>
    %add3A = arith.addf %mul3A_15, %dot_general3A_18 : vector<1000x32xf32>
    %get3A_19 = arith.constant 0 : index
    %get3A_20 = arith.constant 0 : index
    %get3A_21 = vector.load %arg6[%get3A_19, %get3A_20] : memref<1x32xf32, #tpu.memory_space<vmem>>, vector<1x32xf32>
    %add3A_22 = vector.broadcast %get3A_21 : vector<1x32xf32> to vector<1000x32xf32>
    %add3A_23 = arith.addf %add3A, %add3A_22 : vector<1000x32xf32>
    %get3A_24 = arith.constant 0 : index
    %get3A_25 = arith.constant 0 : index
    %get3A_26 = vector.load %arg7[%get3A_24, %get3A_25] : memref<65x32xf32, #tpu.memory_space<vmem>>, vector<65x32xf32>
    %slice3A_27 = vector.extract_strided_slice %get3A_26 {offsets = [0, 0], sizes = [32, 32], strides = [1, 1]} : vector<65x32xf32> to vector<32x32xf32>
    %dot_general3A_28 = arith.constant dense<0.000000e+00> : vector<1000x32xf32>
    %dot_general3A_29 = tpu.matmul %add3A_23, %slice3A_27, %dot_general3A_28 {dimension_numbers = #tpu.dot_dimension_numbers<[1], [0], [0], [1], [0, 0, 1, 1], [], []>, transpose_lhs_hint = false} : vector<1000x32xf32>, vector<32x32xf32>, vector<1000x32xf32> -> vector<1000x32xf32>
    %get3A_30 = arith.constant 0 : index
    %get3A_31 = arith.constant 0 : index
    %get3A_32 = vector.load %arg8[%get3A_30, %get3A_31] : memref<1x32xf32, #tpu.memory_space<vmem>>, vector<1x32xf32>
    %add3A_33 = vector.broadcast %get3A_32 : vector<1x32xf32> to vector<1000x32xf32>
    %add3A_34 = arith.addf %dot_general3A_29, %add3A_33 : vector<1000x32xf32>
    %slice3A_35 = vector.extract_strided_slice %get3A_26 {offsets = [32, 0], sizes = [32, 32], strides = [1, 1]} : vector<65x32xf32> to vector<32x32xf32>
    %dot_general3A_36 = arith.constant dense<0.000000e+00> : vector<1000x32xf32>
    %dot_general3A_37 = tpu.matmul %add3A_23, %slice3A_35, %dot_general3A_36 {dimension_numbers = #tpu.dot_dimension_numbers<[1], [0], [0], [1], [0, 0, 1, 1], [], []>, transpose_lhs_hint = false} : vector<1000x32xf32>, vector<32x32xf32>, vector<1000x32xf32> -> vector<1000x32xf32>
    %get3A_38 = arith.constant 0 : index
    %get3A_39 = arith.constant 0 : index
    %get3A_40 = vector.load %arg3[%get3A_38, %get3A_39] : memref<1000x3xf32, #tpu.memory_space<vmem>>, vector<1000x3xf32>
    %broadcast_in_dim3A = arith.constant 0.000000e+00 : f32
    %broadcast_in_dim3A_41 = vector.broadcast %broadcast_in_dim3A : f32 to vector<1000x13xf32>
    %concatenate3A = tpu.concatenate %add3A_34, %get3A_40, %broadcast_in_dim3A_41 in 1 : vector<1000x32xf32>, vector<1000x3xf32>, vector<1000x13xf32> -> vector<1000x48xf32>
    %swap3A = arith.constant 0 : index
    %swap3A_42 = arith.constant 0 : index
    %swap3A_43 = vector.load %arg9[%swap3A, %swap3A_42] : memref<1000x48xf32, #tpu.memory_space<vmem>>, vector<1000x48xf32>
    tpu.vector_store %arg9[%swap3A, %swap3A_42], %concatenate3A {strides = array<i32>} : memref<1000x48xf32, #tpu.memory_space<vmem>>, vector<1000x48xf32>,
    %neg3A = arith.constant 0.000000e+00 : f32
    %neg3A_44 = vector.broadcast %neg3A : f32 to vector<1000x3xf32>
    %neg3A_45 = arith.subf %neg3A_44, %get3A_40 : vector<1000x3xf32>
    %concatenate3A_46 = tpu.concatenate %dot_general3A_37, %neg3A_45, %broadcast_in_dim3A_41 in 1 : vector<1000x32xf32>, vector<1000x3xf32>, vector<1000x13xf32> -> vector<1000x48xf32>
    %swap3A_47 = arith.constant 0 : index
    %swap3A_48 = arith.constant 0 : index
    %swap3A_49 = vector.load %arg10[%swap3A_47, %swap3A_48] : memref<1000x48xf32, #tpu.memory_space<vmem>>, vector<1000x48xf32>
    tpu.vector_store %arg10[%swap3A_47, %swap3A_48], %concatenate3A_46 {strides = array<i32>} : memref<1000x48xf32, #tpu.memory_space<vmem>>, vector<1000x48xf32>,
    return
  }
  func.func @transform_0(%arg0: i32) -> (i32, i32) {
    %c0_i32 = arith.constant 0 : i32
    %c0_i32_0 = arith.constant 0 : i32
    return %arg0, %c0_i32 : i32, i32
  }
  func.func @transform_1(%arg0: i32) -> (i32, i32) {
    %c0_i32 = arith.constant 0 : i32
    %c0_i32_0 = arith.constant 0 : i32
    return %arg0, %c0_i32 : i32, i32
  }
  func.func @transform_2(%arg0: i32) -> (i32, i32) {
    %c0_i32 = arith.constant 0 : i32
    %c0_i32_0 = arith.constant 0 : i32
    return %arg0, %c0_i32 : i32, i32
  }
  func.func @transform_3(%arg0: i32) -> (i32, i32) {
    %c0_i32 = arith.constant 0 : i32
    %c0_i32_0 = arith.constant 0 : i32
    %c0_i32_1 = arith.constant 0 : i32
    return %c0_i32, %c0_i32_0 : i32, i32
  }
  func.func @transform_4(%arg0: i32) -> (i32, i32) {
    %c0_i32 = arith.constant 0 : i32
    %c0_i32_0 = arith.constant 0 : i32
    %c0_i32_1 = arith.constant 0 : i32
    return %c0_i32, %c0_i32_0 : i32, i32
  }
  func.func @transform_5(%arg0: i32) -> (i32, i32) {
    %c0_i32 = arith.constant 0 : i32
    %c0_i32_0 = arith.constant 0 : i32
    %c0_i32_1 = arith.constant 0 : i32
    return %c0_i32, %c0_i32_0 : i32, i32
  }
  func.func @transform_6(%arg0: i32) -> (i32, i32) {
    %c0_i32 = arith.constant 0 : i32
    %c0_i32_0 = arith.constant 0 : i32
    %c0_i32_1 = arith.constant 0 : i32
    return %c0_i32, %c0_i32_0 : i32, i32
  }
  func.func @transform_7(%arg0: i32) -> (i32, i32) {
    %c0_i32 = arith.constant 0 : i32
    %c0_i32_0 = arith.constant 0 : i32
    %c0_i32_1 = arith.constant 0 : i32
    return %c0_i32, %c0_i32_0 : i32, i32
  }
  func.func @transform_8(%arg0: i32) -> (i32, i32) {
    %c0_i32 = arith.constant 0 : i32
    %c0_i32_0 = arith.constant 0 : i32
    return %arg0, %c0_i32 : i32, i32
  }
  func.func @transform_9(%arg0: i32) -> (i32, i32) {
    %c0_i32 = arith.constant 0 : i32
    %c0_i32_0 = arith.constant 0 : i32
    return %arg0, %c0_i32 : i32, i32
  }
}

module attributes {stable_mosaic.version = 14 : i64} {
  func.func @_mlp_body(%arg0: i32, %arg1: memref<3200x128xf32, #tpu.memory_space<vmem>>, %arg2: memref<128x128xf32, #tpu.memory_space<vmem>>, %arg3: memref<128x128xf32, #tpu.memory_space<vmem>>, %arg4: memref<1x128xf32, #tpu.memory_space<vmem>>, %arg5: memref<128x128xf32, #tpu.memory_space<vmem>>, %arg6: memref<1x128xf32, #tpu.memory_space<vmem>>, %arg7: memref<128x128xf32, #tpu.memory_space<vmem>>, %arg8: memref<3200x8xf32, #tpu.memory_space<vmem>>, %arg9: memref<3200x8xf32, #tpu.memory_space<vmem>>) attributes {dimension_semantics = [#tpu.dimension_semantics<arbitrary>], iteration_bounds = array<i64: 250>, scalar_prefetch = 0 : i64, scratch_operands = 0 : i64, tpu.core_type = #tpu.core_type<tc>, window_params = [{transform_indices = @transform_0, window_bounds = array<i64: 3200, 128>}, {pipeline_mode = #tpu.pipeline_mode<synchronous>, transform_indices = @transform_1, window_bounds = array<i64: 128, 128>}, {pipeline_mode = #tpu.pipeline_mode<synchronous>, transform_indices = @transform_2, window_bounds = array<i64: 128, 128>}, {pipeline_mode = #tpu.pipeline_mode<synchronous>, transform_indices = @transform_3, window_bounds = array<i64: 1, 128>}, {pipeline_mode = #tpu.pipeline_mode<synchronous>, transform_indices = @transform_4, window_bounds = array<i64: 128, 128>}, {pipeline_mode = #tpu.pipeline_mode<synchronous>, transform_indices = @transform_5, window_bounds = array<i64: 1, 128>}, {pipeline_mode = #tpu.pipeline_mode<synchronous>, transform_indices = @transform_6, window_bounds = array<i64: 128, 128>}, {transform_indices = @transform_7, window_bounds = array<i64: 3200, 8>}, {transform_indices = @transform_8, window_bounds = array<i64: 3200, 8>}]} {
    %get3A = arith.constant 0 : index
    %get3A_0 = arith.constant 0 : index
    %get3A_1 = vector.load %arg1[%get3A, %get3A_0] : memref<3200x128xf32, #tpu.memory_space<vmem>>, vector<3200x128xf32>
    %iota3A = tpu.iota {dimensions = array<i32: 1>} : vector<3200x128xi32>
    %and3A = arith.constant 63 : i32
    %and3A_2 = vector.broadcast %and3A : i32 to vector<3200x128xi32>
    %and3A_3 = arith.andi %iota3A, %and3A_2 : vector<3200x128xi32>
    %lt3A = arith.constant 48 : i32
    %lt3A_4 = vector.broadcast %lt3A : i32 to vector<3200x128xi32>
    %lt3A_5 = arith.cmpi slt, %and3A_3, %lt3A_4 : vector<3200x128xi32>
    %broadcast_in_dim3A = arith.constant 0.000000e+00 : f32
    %broadcast_in_dim3A_6 = vector.broadcast %broadcast_in_dim3A : f32 to vector<3200x128xf32>
    %select_n3A = arith.select %lt3A_5, %get3A_1, %broadcast_in_dim3A_6 : vector<3200x128xi1>, vector<3200x128xf32>
    %get3A_7 = arith.constant 0 : index
    %get3A_8 = arith.constant 0 : index
    %get3A_9 = vector.load %arg2[%get3A_7, %get3A_8] : memref<128x128xf32, #tpu.memory_space<vmem>>, vector<128x128xf32>
    %dot_general3A = arith.constant dense<0.000000e+00> : vector<3200x128xf32>
    %dot_general3A_10 = tpu.matmul %select_n3A, %get3A_9, %dot_general3A {dimension_numbers = #tpu.dot_dimension_numbers<[1], [0], [0], [1], [0, 0, 1, 1], [], []>, transpose_lhs_hint = false} : vector<3200x128xf32>, vector<128x128xf32>, vector<3200x128xf32> -> vector<3200x128xf32>
    %add3A = arith.addf %select_n3A, %dot_general3A_10 : vector<3200x128xf32>
    %mul3A = arith.constant 5.000000e-01 : f32
    %mul3A_11 = vector.broadcast %mul3A : f32 to vector<3200x128xf32>
    %mul3A_12 = arith.mulf %mul3A_11, %add3A : vector<3200x128xf32>
    %mul3A_13 = arith.constant 5.000000e-01 : f32
    %mul3A_14 = vector.broadcast %mul3A_13 : f32 to vector<3200x128xf32>
    %mul3A_15 = arith.mulf %mul3A_14, %add3A : vector<3200x128xf32>
    %tanh3A = math.tanh %mul3A_15 : vector<3200x128xf32>
    %add3A_16 = arith.constant 1.000000e+00 : f32
    %add3A_17 = vector.broadcast %add3A_16 : f32 to vector<3200x128xf32>
    %add3A_18 = arith.addf %add3A_17, %tanh3A : vector<3200x128xf32>
    %mul3A_19 = arith.mulf %mul3A_12, %add3A_18 : vector<3200x128xf32>
    %get3A_20 = arith.constant 0 : index
    %get3A_21 = arith.constant 0 : index
    %get3A_22 = vector.load %arg3[%get3A_20, %get3A_21] : memref<128x128xf32, #tpu.memory_space<vmem>>, vector<128x128xf32>
    %dot_general3A_23 = arith.constant dense<0.000000e+00> : vector<3200x128xf32>
    %dot_general3A_24 = tpu.matmul %mul3A_19, %get3A_22, %dot_general3A_23 {dimension_numbers = #tpu.dot_dimension_numbers<[1], [0], [0], [1], [0, 0, 1, 1], [], []>, transpose_lhs_hint = false} : vector<3200x128xf32>, vector<128x128xf32>, vector<3200x128xf32> -> vector<3200x128xf32>
    %get3A_25 = arith.constant 0 : index
    %get3A_26 = arith.constant 0 : index
    %get3A_27 = vector.load %arg4[%get3A_25, %get3A_26] : memref<1x128xf32, #tpu.memory_space<vmem>>, vector<1x128xf32>
    %add3A_28 = vector.broadcast %get3A_27 : vector<1x128xf32> to vector<3200x128xf32>
    %add3A_29 = arith.addf %dot_general3A_24, %add3A_28 : vector<3200x128xf32>
    %mul3A_30 = arith.constant 5.000000e-01 : f32
    %mul3A_31 = vector.broadcast %mul3A_30 : f32 to vector<3200x128xf32>
    %mul3A_32 = arith.mulf %mul3A_31, %add3A_29 : vector<3200x128xf32>
    %mul3A_33 = arith.constant 5.000000e-01 : f32
    %mul3A_34 = vector.broadcast %mul3A_33 : f32 to vector<3200x128xf32>
    %mul3A_35 = arith.mulf %mul3A_34, %add3A_29 : vector<3200x128xf32>
    %tanh3A_36 = math.tanh %mul3A_35 : vector<3200x128xf32>
    %add3A_37 = arith.constant 1.000000e+00 : f32
    %add3A_38 = vector.broadcast %add3A_37 : f32 to vector<3200x128xf32>
    %add3A_39 = arith.addf %add3A_38, %tanh3A_36 : vector<3200x128xf32>
    %mul3A_40 = arith.mulf %mul3A_32, %add3A_39 : vector<3200x128xf32>
    %get3A_41 = arith.constant 0 : index
    %get3A_42 = arith.constant 0 : index
    %get3A_43 = vector.load %arg5[%get3A_41, %get3A_42] : memref<128x128xf32, #tpu.memory_space<vmem>>, vector<128x128xf32>
    %dot_general3A_44 = arith.constant dense<0.000000e+00> : vector<3200x128xf32>
    %dot_general3A_45 = tpu.matmul %mul3A_40, %get3A_43, %dot_general3A_44 {dimension_numbers = #tpu.dot_dimension_numbers<[1], [0], [0], [1], [0, 0, 1, 1], [], []>, transpose_lhs_hint = false} : vector<3200x128xf32>, vector<128x128xf32>, vector<3200x128xf32> -> vector<3200x128xf32>
    %get3A_46 = arith.constant 0 : index
    %get3A_47 = arith.constant 0 : index
    %get3A_48 = vector.load %arg6[%get3A_46, %get3A_47] : memref<1x128xf32, #tpu.memory_space<vmem>>, vector<1x128xf32>
    %add3A_49 = vector.broadcast %get3A_48 : vector<1x128xf32> to vector<3200x128xf32>
    %add3A_50 = arith.addf %dot_general3A_45, %add3A_49 : vector<3200x128xf32>
    %mul3A_51 = arith.constant 5.000000e-01 : f32
    %mul3A_52 = vector.broadcast %mul3A_51 : f32 to vector<3200x128xf32>
    %mul3A_53 = arith.mulf %mul3A_52, %add3A_50 : vector<3200x128xf32>
    %mul3A_54 = arith.constant 5.000000e-01 : f32
    %mul3A_55 = vector.broadcast %mul3A_54 : f32 to vector<3200x128xf32>
    %mul3A_56 = arith.mulf %mul3A_55, %add3A_50 : vector<3200x128xf32>
    %tanh3A_57 = math.tanh %mul3A_56 : vector<3200x128xf32>
    %add3A_58 = arith.constant 1.000000e+00 : f32
    %add3A_59 = vector.broadcast %add3A_58 : f32 to vector<3200x128xf32>
    %add3A_60 = arith.addf %add3A_59, %tanh3A_57 : vector<3200x128xf32>
    %mul3A_61 = arith.mulf %mul3A_53, %add3A_60 : vector<3200x128xf32>
    %get3A_62 = arith.constant 0 : index
    %get3A_63 = arith.constant 0 : index
    %get3A_64 = vector.load %arg7[%get3A_62, %get3A_63] : memref<128x128xf32, #tpu.memory_space<vmem>>, vector<128x128xf32>
    %dot_general3A_65 = arith.constant dense<0.000000e+00> : vector<3200x128xf32>
    %dot_general3A_66 = tpu.matmul %mul3A_61, %get3A_64, %dot_general3A_65 {dimension_numbers = #tpu.dot_dimension_numbers<[1], [0], [0], [1], [0, 0, 1, 1], [], []>, transpose_lhs_hint = false} : vector<3200x128xf32>, vector<128x128xf32>, vector<3200x128xf32> -> vector<3200x128xf32>
    %roll3A = arith.constant 125 : i32
    %roll3A_67 = tpu.dynamic_rotate %select_n3A by %roll3A dim 1 : vector<3200x128xf32>, i32 -> vector<3200x128xf32>
    %tanh3A_68 = math.tanh %dot_general3A_66 : vector<3200x128xf32>
    %mul3A_69 = arith.constant 1.500000e+01 : f32
    %mul3A_70 = vector.broadcast %mul3A_69 : f32 to vector<3200x128xf32>
    %mul3A_71 = arith.mulf %tanh3A_68, %mul3A_70 : vector<3200x128xf32>
    %sqrt3A = math.sqrt %roll3A_67 : vector<3200x128xf32>
    %add3A_72 = arith.constant 1.000000e+00 : f32
    %add3A_73 = vector.broadcast %add3A_72 : f32 to vector<3200x128xf32>
    %add3A_74 = arith.addf %sqrt3A, %add3A_73 : vector<3200x128xf32>
    %div3A = arith.divf %mul3A_71, %add3A_74 : vector<3200x128xf32>
    %mul3A_75 = arith.mulf %select_n3A, %div3A : vector<3200x128xf32>
    %slice3A = vector.extract_strided_slice %mul3A_75 {offsets = [0, 32], sizes = [3200, 8], strides = [1, 1]} : vector<3200x128xf32> to vector<3200x8xf32>
    %swap3A = arith.constant 0 : index
    %swap3A_76 = arith.constant 0 : index
    %swap3A_77 = vector.load %arg8[%swap3A, %swap3A_76] : memref<3200x8xf32, #tpu.memory_space<vmem>>, vector<3200x8xf32>
    tpu.vector_store %arg8[%swap3A, %swap3A_76], %slice3A {strides = array<i32>} : memref<3200x8xf32, #tpu.memory_space<vmem>>, vector<3200x8xf32>,
    %slice3A_78 = vector.extract_strided_slice %mul3A_75 {offsets = [0, 96], sizes = [3200, 8], strides = [1, 1]} : vector<3200x128xf32> to vector<3200x8xf32>
    %swap3A_79 = arith.constant 0 : index
    %swap3A_80 = arith.constant 0 : index
    %swap3A_81 = vector.load %arg9[%swap3A_79, %swap3A_80] : memref<3200x8xf32, #tpu.memory_space<vmem>>, vector<3200x8xf32>
    tpu.vector_store %arg9[%swap3A_79, %swap3A_80], %slice3A_78 {strides = array<i32>} : memref<3200x8xf32, #tpu.memory_space<vmem>>, vector<3200x8xf32>,
    return
  }
  func.func @transform_0(%arg0: i32) -> (i32, i32) {
    %c0_i32 = arith.constant 0 : i32
    %c0_i32_0 = arith.constant 0 : i32
    return %arg0, %c0_i32 : i32, i32
  }
  func.func @transform_1(%arg0: i32) -> (i32, i32) {
    %c0_i32 = arith.constant 0 : i32
    %c0_i32_0 = arith.constant 0 : i32
    %c0_i32_1 = arith.constant 0 : i32
    return %c0_i32, %c0_i32_0 : i32, i32
  }
  func.func @transform_2(%arg0: i32) -> (i32, i32) {
    %c0_i32 = arith.constant 0 : i32
    %c0_i32_0 = arith.constant 0 : i32
    %c0_i32_1 = arith.constant 0 : i32
    return %c0_i32, %c0_i32_0 : i32, i32
  }
  func.func @transform_3(%arg0: i32) -> (i32, i32) {
    %c0_i32 = arith.constant 0 : i32
    %c0_i32_0 = arith.constant 0 : i32
    %c0_i32_1 = arith.constant 0 : i32
    return %c0_i32, %c0_i32_0 : i32, i32
  }
  func.func @transform_4(%arg0: i32) -> (i32, i32) {
    %c0_i32 = arith.constant 0 : i32
    %c0_i32_0 = arith.constant 0 : i32
    %c0_i32_1 = arith.constant 0 : i32
    return %c0_i32, %c0_i32_0 : i32, i32
  }
  func.func @transform_5(%arg0: i32) -> (i32, i32) {
    %c0_i32 = arith.constant 0 : i32
    %c0_i32_0 = arith.constant 0 : i32
    %c0_i32_1 = arith.constant 0 : i32
    return %c0_i32, %c0_i32_0 : i32, i32
  }
  func.func @transform_6(%arg0: i32) -> (i32, i32) {
    %c0_i32 = arith.constant 0 : i32
    %c0_i32_0 = arith.constant 0 : i32
    %c0_i32_1 = arith.constant 0 : i32
    return %c0_i32, %c0_i32_0 : i32, i32
  }
  func.func @transform_7(%arg0: i32) -> (i32, i32) {
    %c0_i32 = arith.constant 0 : i32
    %c0_i32_0 = arith.constant 0 : i32
    return %arg0, %c0_i32 : i32, i32
  }
  func.func @transform_8(%arg0: i32) -> (i32, i32) {
    %c0_i32 = arith.constant 0 : i32
    %c0_i32_0 = arith.constant 0 : i32
    return %arg0, %c0_i32 : i32, i32
  }
}

module attributes {stable_mosaic.version = 14 : i64} {
  func.func @_combine_body(%arg0: i32, %arg1: memref<2x1000x8xf32, #tpu.memory_space<vmem>>, %arg2: memref<1x1xf32, #tpu.memory_space<smem>>, %arg3: memref<1x1xi32, #tpu.memory_space<smem>>, %arg4: memref<1000x3xf32, #tpu.memory_space<vmem>>) attributes {dimension_semantics = [#tpu.dimension_semantics<arbitrary>], iteration_bounds = array<i64: 100>, scalar_prefetch = 0 : i64, scratch_operands = 0 : i64, tpu.core_type = #tpu.core_type<tc>, window_params = [{transform_indices = @transform_0, window_bounds = array<i64: 2, 1000, 8>}, {transform_indices = @transform_1, window_bounds = array<i64: 1, 1>}, {transform_indices = @transform_2, window_bounds = array<i64: 1, 1>}, {transform_indices = @transform_3, window_bounds = array<i64: 1000, 3>}]} {
    %get3A = arith.constant 0 : index
    %get3A_0 = arith.constant 0 : index
    %get3A_1 = memref.load %arg2[%get3A, %get3A_0] : memref<1x1xf32, #tpu.memory_space<smem>>
    %get3A_2 = arith.constant 0 : index
    %get3A_3 = arith.constant 0 : index
    %get3A_4 = arith.constant 0 : index
    %get3A_5 = vector.load %arg1[%get3A_2, %get3A_3, %get3A_4] : memref<2x1000x8xf32, #tpu.memory_space<vmem>>, vector<2x1000x8xf32>
    %slice3A = vector.extract_strided_slice %get3A_5 {offsets = [0, 0, 0], sizes = [1, 1000, 8], strides = [1, 1, 1]} : vector<2x1000x8xf32> to vector<1x1000x8xf32>
    %squeeze3A = vector.shape_cast %slice3A : vector<1x1000x8xf32> to vector<1000x8xf32>
    %slice3A_6 = vector.extract_strided_slice %get3A_5 {offsets = [1, 0, 0], sizes = [1, 1000, 8], strides = [1, 1, 1]} : vector<2x1000x8xf32> to vector<1x1000x8xf32>
    %squeeze3A_7 = vector.shape_cast %slice3A_6 : vector<1x1000x8xf32> to vector<1000x8xf32>
    %add3A = arith.addf %squeeze3A, %squeeze3A_7 : vector<1000x8xf32>
    %mul3A = arith.constant 1000 : i32
    %mul3A_8 = arith.muli %arg0, %mul3A : i32
    %iota3A = tpu.iota {dimensions = array<i32: 0>} : vector<1000x1xi32>
    %add3A_9 = vector.broadcast %mul3A_8 : i32 to vector<1000x1xi32>
    %add3A_10 = arith.addi %add3A_9, %iota3A : vector<1000x1xi32>
    %get3A_11 = arith.constant 0 : index
    %get3A_12 = arith.constant 0 : index
    %get3A_13 = memref.load %arg3[%get3A_11, %get3A_12] : memref<1x1xi32, #tpu.memory_space<smem>>
    %lt3A = vector.broadcast %get3A_13 : i32 to vector<1000x1xi32>
    %lt3A_14 = arith.cmpi slt, %add3A_10, %lt3A : vector<1000x1xi32>
    %broadcast_in_dim3A = arith.constant 0.000000e+00 : f32
    %broadcast_in_dim3A_15 = vector.broadcast %broadcast_in_dim3A : f32 to vector<1000x8xf32>
    %broadcast_in_dim3A_16 = vector.shape_cast %lt3A_14 : vector<1000x1xi1> to vector<1000x1xi1>
    %broadcast_in_dim3A_17 = vector.broadcast %broadcast_in_dim3A_16 : vector<1000x1xi1> to vector<1000x8xi1>
    %select_n3A = arith.select %broadcast_in_dim3A_17, %add3A, %broadcast_in_dim3A_15 : vector<1000x8xi1>, vector<1000x8xf32>
    %mul3A_18 = arith.constant 5.000000e-01 : f32
    %mul3A_19 = arith.mulf %mul3A_18, %get3A_1 : f32
    %gt3A = vector.broadcast %mul3A_19 : f32 to vector<1000x8xf32>
    %gt3A_20 = arith.cmpf ogt, %select_n3A, %gt3A : vector<1000x8xf32>
    %sub3A = vector.broadcast %get3A_1 : f32 to vector<1000x8xf32>
    %sub3A_21 = arith.subf %select_n3A, %sub3A : vector<1000x8xf32>
    %select_n3A_22 = arith.select %gt3A_20, %sub3A_21, %select_n3A : vector<1000x8xi1>, vector<1000x8xf32>
    %mul3A_23 = arith.constant -5.000000e-01 : f32
    %mul3A_24 = arith.mulf %mul3A_23, %get3A_1 : f32
    %lt3A_25 = vector.broadcast %mul3A_24 : f32 to vector<1000x8xf32>
    %lt3A_26 = arith.cmpf olt, %select_n3A_22, %lt3A_25 : vector<1000x8xf32>
    %add3A_27 = vector.broadcast %get3A_1 : f32 to vector<1000x8xf32>
    %add3A_28 = arith.addf %select_n3A_22, %add3A_27 : vector<1000x8xf32>
    %select_n3A_29 = arith.select %lt3A_26, %add3A_28, %select_n3A_22 : vector<1000x8xi1>, vector<1000x8xf32>
    %slice3A_30 = vector.extract_strided_slice %select_n3A_29 {offsets = [0, 0], sizes = [1000, 3], strides = [1, 1]} : vector<1000x8xf32> to vector<1000x3xf32>
    %swap3A = arith.constant 0 : index
    %swap3A_31 = arith.constant 0 : index
    %swap3A_32 = vector.load %arg4[%swap3A, %swap3A_31] : memref<1000x3xf32, #tpu.memory_space<vmem>>, vector<1000x3xf32>
    tpu.vector_store %arg4[%swap3A, %swap3A_31], %slice3A_30 {strides = array<i32>} : memref<1000x3xf32, #tpu.memory_space<vmem>>, vector<1000x3xf32>,
    return
  }
  func.func @transform_0(%arg0: i32) -> (i32, i32, i32) {
    %c0_i32 = arith.constant 0 : i32
    %c0_i32_0 = arith.constant 0 : i32
    %c0_i32_1 = arith.constant 0 : i32
    return %c0_i32, %arg0, %c0_i32_0 : i32, i32, i32
  }
  func.func @transform_1(%arg0: i32) -> (i32, i32) {
    %c0_i32 = arith.constant 0 : i32
    %c0_i32_0 = arith.constant 0 : i32
    %c0_i32_1 = arith.constant 0 : i32
    return %c0_i32, %c0_i32_0 : i32, i32
  }
  func.func @transform_2(%arg0: i32) -> (i32, i32) {
    %c0_i32 = arith.constant 0 : i32
    %c0_i32_0 = arith.constant 0 : i32
    %c0_i32_1 = arith.constant 0 : i32
    return %c0_i32, %c0_i32_0 : i32, i32
  }
  func.func @transform_3(%arg0: i32) -> (i32, i32) {
    %c0_i32 = arith.constant 0 : i32
    %c0_i32_0 = arith.constant 0 : i32
    return %arg0, %c0_i32 : i32, i32
  }
}

</mosaic_0001>

<sc_bundles>
// kernel: kernel.10.cloned.1.call-start
scs
__scs_entry_jumppad:
0x0: {  	(pc) =	sbr.rel $0x88, $3  }
0x1: {  	(tag) =	ssettag $0x0;
	lr =	simm.s32 $0x1  }
0x2: {  	[smem:$0x3F91] =	sst lr;
	_ =	strace $0xD0000000  }
0x3: {  	_ = 	snop  }
0x4: {  	_ = 	snop  }
0x5: {  	_ = 	snop  }
0x6: {  	_ = 	snop  }
0x7: {  	_ = 	snop  }
__scs_overlays_trampoline_lowered:
0x8: {  	[smem:$0x3FA0] =	sst s0  }
0x9: {  	[smem:$0x3FA1] =	sst s1  }
0xa: {  	[smem:$0x3FA2] =	sst s2  }
0xb: {  	[smem:$0x3FA3] =	sst s3  }
0xc: {  	[smem:$0x3FA4] =	sst s4  }
0xd: {  	[smem:$0x3FA5] =	sst s5  }
0xe: {  	[smem:$0x3FA6] =	sst s6  }
0xf: {  	[smem:$0x3FA7] =	sst s7  }
0x10: {  	[smem:$0x3FA8] =	sst s8  }
0x11: {  	[smem:$0x3FA9] =	sst s9;
	s0 =	simm.s32 @!p0 $0x0  }
0x12: {  	s1 =	sld [smem:$0x3F8F];
	s0 =	simm.s32 @p0 $0x1  }
0x13: {  	[smem:$0x3FAA] =	sst s0;
	s0 =	simm.s32 @!p1 $0x0  }
0x14: {  	s2 =	sld [smem:$0x3F8E];
	s0 =	simm.s32 @p1 $0x1  }
0x15: {  	[smem:$0x3FAB] =	sst s0;
	s0 =	simm.s32 @!p2 $0x0  }
0x16: {  	s3 =	sld [smem:$0x3FDB];
	s0 =	simm.s32 @p2 $0x1  }
0x17: {  	s4 =	simm.s32 $0x1BF5;
	[smem:$0x3FAD] =	sst s0  }
0x18: {  	s0 =	sld [smem:$0x3F90];
	_ =	swait.ge [sflag:s4], $0x0  }
0x19: {  	s7 =	sld [smem:$0x3F91]  }
0x1a: {  	s8 =	sadd.s32 $0xFFFFE003, lr  }
0x1b: {  	s9 =	sadd.s32 $0xFFFFFEF7, lr;
	s5 =	simm.s32 $0xFFFFFFFF;
	p2 =	slt.u32 s8, $0xFFFFF086  }
0x1c: {  	p1 =	slt.u32 s9, $0xF7A;
	s5 =	simm.s32 @!p2 $0x0  }
0x1d: {  	s5 =	simm.s32 @p1 $0x1;
	p0 =	seq.s32 s7, s2  }
0x1e: {  	s7 =	smul.u32 @!p0 $0xF7A, s2;
	p2 =	seq.s32 @!p0 s5, $0x0  }
0x1f: {  	s9 =	smul.u32 $0xF7A, s1;
	s8 =	simm.s32 @!p0 $0x1BF5;
	p2 =	por !p2, p0  }
0x20: {  	[sflag:s8] =	ssyncset.s32 @!p0 $0xFFFFF086;
	s6 =	sadd.s32 @!p0 s3, s7;
	s7 =	simm.s32 @!p0 $0x108  }
0x21: {  	s3 =	sadd.s32 s3, s9;
	s6 =	sadd.s32 @!p0 $0x88, s6;
	s7 =	simm.s32 @p2 $0x1082  }
0x22: {  	[simem:s7], [sflag:s8] =	dma.local @!p0 [hbm:s6], $0xF7A  }
0x23: {  	s9 =	sor.u32 $0xD0000000, s2;
	s6 =	simm.s32 $0x108;
	_ =	swait.ge @!p0 [sflag:s8], $0x0  }
0x24: {  	s3 =	sadd.s32 $0x88, s3;
	s6 =	simm.s32 @!p1 $0x1082;
	[sflag:s4] =	ssyncset.s32 $0xFFFFF086  }
0x25: {  	[simem:s6], [sflag:s4] =	dma.local [hbm:s3], $0xF7A  }
0x26: {  	[smem:$0x3F91] =	sst s1;
	(tag) =	ssettag s2;
	_ =	strace s9  }
0x27: {  	s1 =	sld [smem:$0x3FA1]  }
0x28: {  	s2 =	sld [smem:$0x3FA2]  }
0x29: {  	s4 =	sld [smem:$0x3FA4]  }
0x2a: {  	p0 =	seq.s32 s5, $0x0;
	s5 =	sld [smem:$0x3FA5]  }
0x2b: {  	s6 =	sld [smem:$0x3FA6]  }
0x2c: {  	s7 =	sld [smem:$0x3FA7]  }
0x2d: {  	s3 =	simm.s32 $0x108;
	s8 =	sld [smem:$0x3FA8]  }
0x2e: {  	s3 =	simm.s32 @!p0 $0x1082;
	s9 =	sld [smem:$0x3FA9]  }
0x2f: {  	lr =	sadd.s32 s0, s3;
	s0 =	sld [smem:$0x3FA0]  }
0x30: {  	s3 =	sld [smem:$0x3FA3]  }
0x31: {  	[smem:$0x3FAC] =	sst s10  }
0x32: {  	s10 =	sld [smem:$0x3FAA];
	_ =	sdelay $0x3  }
0x33: {  	p0 =	seq.s32 s10, $0x1;
	s10 =	sld [smem:$0x3FAC];
	_ =	sdelay $0x3  }
0x34: {  	[smem:$0x3FAC] =	sst s10  }
0x35: {  	s10 =	sld [smem:$0x3FAB];
	_ =	sdelay $0x3  }
0x36: {  	p1 =	seq.s32 s10, $0x1;
	s10 =	sld [smem:$0x3FAC];
	_ =	sdelay $0x3  }
0x37: {  	[smem:$0x3FAC] =	sst s10  }
0x38: {  	s10 =	sld [smem:$0x3FAD]  }
0x39: {  	_ = 	snop;
	(pc) =	sbr.ind lr, $3  }
0x3a: {  	_ = 	snop  }
0x3b: {  	_ = 	snop  }
0x3c: {  	p2 =	seq.s32 s10, $0x1;
	s10 =	sld [smem:$0x3FAC]  }
0x3d: {  	_ =	shalt  }
0x3e: {  	_ =	shalt  }
0x3f: {  	_ =	shalt  }
0x40: {  	_ =	shalt  }
0x41: {  	_ =	shalt  }
0x42: {  	_ =	shalt  }
0x43: {  	_ =	shalt  }
0x44: {  	_ =	shalt  }
0x45: {  	_ =	shalt  }
0x46: {  	_ =	shalt  }
0x47: {  	_ =	shalt  }
0x48: {  	_ =	shalt  }
0x49: {  	_ =	shalt  }
0x4a: {  	_ =	shalt  }
0x4b: {  	_ =	shalt  }
0x4c: {  	_ =	shalt  }
0x4d: {  	_ =	shalt  }
0x4e: {  	_ =	shalt  }
0x4f: {  	_ =	shalt  }
0x50: {  	_ =	shalt  }
0x51: {  	_ =	shalt  }
0x52: {  	_ =	shalt  }
0x53: {  	_ =	shalt  }
0x54: {  	_ =	shalt  }
0x55: {  	_ =	shalt  }
0x56: {  	_ =	shalt  }
0x57: {  	_ =	shalt  }
0x58: {  	_ =	shalt  }
0x59: {  	_ =	shalt  }
0x5a: {  	_ =	shalt  }
0x5b: {  	_ =	shalt  }
0x5c: {  	_ =	shalt  }
0x5d: {  	_ =	shalt  }
0x5e: {  	_ =	shalt  }
0x5f: {  	_ =	shalt  }
0x60: {  	_ =	shalt  }
0x61: {  	_ =	shalt  }
0x62: {  	_ =	shalt  }
0x63: {  	_ =	shalt  }
0x64: {  	_ =	shalt  }
0x65: {  	_ =	shalt  }
0x66: {  	_ =	shalt  }
0x67: {  	_ =	shalt  }
0x68: {  	_ =	shalt  }
0x69: {  	_ =	shalt  }
0x6a: {  	_ =	shalt  }
0x6b: {  	_ =	shalt  }
0x6c: {  	_ =	shalt  }
0x6d: {  	_ =	shalt  }
0x6e: {  	_ =	shalt  }
0x6f: {  	_ =	shalt  }
0x70: {  	_ =	shalt  }
0x71: {  	_ =	shalt  }
0x72: {  	_ =	shalt  }
0x73: {  	_ =	shalt  }
0x74: {  	_ =	shalt  }
0x75: {  	_ =	shalt  }
0x76: {  	_ =	shalt  }
0x77: {  	_ =	shalt  }
0x78: {  	_ =	shalt  }
0x79: {  	_ =	shalt  }
0x7a: {  	_ =	shalt  }
0x7b: {  	_ =	shalt  }
0x7c: {  	_ =	shalt  }
0x7d: {  	_ =	shalt  }
0x7e: {  	_ =	shalt  }
0x7f: {  	_ =	shalt  }
0x80: {  	_ =	shalt  }
0x81: {  	_ =	shalt  }
0x82: {  	_ =	shalt  }
0x83: {  	_ =	shalt  }
0x84: {  	_ =	shalt  }
0x85: {  	_ =	shalt  }
0x86: {  	_ =	shalt  }
0x87: {  	_ =	shalt  }
.Lfunc_end0:
.L_simem_size_0:
called_computation.1_lowered:
.L_overlay_start_0:
0x88: {  	s2 =	sld [smem:$0x3FD9]  }
0x89: {  	s3 =	sld [smem:$0x3FFE];
	_ =	sdelay $0x1  }
0x8a: {  	s1 =	srdreg.scid  }
0x8b: {  	s0 =	sand.u32 $0x1, s1  }
0x8c: {  	s16 =	sshll.u32 s0, $0xA;
	s2 =	sadd.s32 s3, s2  }
0x8d: {  	s2 =	sadd.s32 s2, s16  }
0x8e: {  	[smem:$0x3FB8] =	sst s2  }
0x8f: {  	_ = 	snop  }
0x90: {  	(tm) =	ssettm $0x1  }
0x91: {  	s17 =	sld [smem:$0x3FFB];
	_ =	sdelay $0x3  }
0x92: {  	_ =	strace s17  }
0x93: {  	s2 =	sld [smem:$0x3FFC];
	_ =	sdelay $0x3  }
0x94: {  	_ =	strace s2  }
0x95: {  	s2 =	sld [smem:$0x3FFD];
	_ =	sdelay $0x3  }
0x96: {  	_ =	strace s2  }
0x97: {  	_ =	strace $0x8FFFFFFF  }
0x98: {  	s18 =	sld [smem:$0x3FDB];
	_ =	sdelay $0x1  }
0x99: {  	s19 =	simm.s32 $_scs_section_size  }
0x9a: {  	s4 =	simm.s32 $_size__tile_overlayer_lowered;
	s5 =	simm.s32 $_tile_overlayer_lowered  }
0x9b: {  	s22 =	simm.s32 $0x1BFF;
	s21 =	sshll.u32 s5, $0x1;
	s2 =	sadd.s32 s19, s18  }
0x9c: {  	s6 =	simm.s32 $0x0;
	s20 =	sshll.u32 s4, $0x1;
	s4 =	sadd.s32 s21, s2  }
0x9d: {  	[timem:s6], [sflag:s22] =	dma.local [hbm:s4], s20  }
0x9e: {  	_ =	swait.ge [sflag:s22], s20  }
0x9f: {  	s3 =	ssub.s32 $0x0, s20;
	[sflag:s22] =	ssyncset.done $0x0  }
0xa0: {  	[sflag:s22] =	ssyncadd.s32 s3;
	_ =	sdelay $0x1  }
0xa1: {  	s23 =	simm.s32 $0x1B8B  }
0xa2: {  	_ =	swait.ge [sflag:s23], $0x1  }
0xa3: {  	[sflag:s23] =	ssyncset.done $0x0  }
0xa4: {  	s25 =	simm.s32 $0x1B8E;
	s24 =	sld [smem:$0x3FFE];
	[sflag:s23] =	ssyncadd.s32 $0xFFFFFFFF  }
0xa5: {  	s26 =	simm.s32 $execute0_lowered;
	[smem:$0x3FD2] =	sst s25  }
0xa6: {  	s4 =	sshll.u32 s26, $0x1;
	_ =	strace $0x80000049;
	[dreg:$0x1] =	wrdreg $0xFFFFFFFF  }
0xa7: {  	s28 =	simm.s32 $_size_execute0_lowered;
	s2 =	sadd.s32 s2, s4;
	[dreg:$0x0] =	wrdreg $0x0  }
0xa8: {  	s4 =	sshll.u32 s28, $0x1;
	[dreg:$0x2] =	wrdreg s2  }
0xa9: {  	[dreg:$0x3] =	wrdreg s4  }
0xaa: {  	[dreg:$0x4] =	wrdreg $0xC0  }
0xab: {  	_ =	task [dreg:s6], $0x5FFFF  }
0xac: {  	[dreg:$0x1] =	wrdreg $0xFFFFFFFF  }
0xad: {  	[dreg:$0x0] =	wrdreg $0x60  }
0xae: {  	[dreg:$0x2] =	wrdreg s24  }
0xaf: {  	[dreg:$0x3] =	wrdreg $0x23280  }
0xb0: {  	[dreg:$0x4] =	wrdreg $0x9  }
0xb1: {  	_ =	task.clear_ibuf [dreg:s6], $0x5FFFF;
	_ =	strace $0x90000049  }
0xb2: {  	s29 =	simm.s32 $0x9;
	_ =	strace $0x8000004B  }
0xb3: {  	_ =	swait.ge [sflag:s29], $0x1  }
0xb4: {  	[sflag:s29] =	ssyncadd.s32 $0xFFFFFFFF  }
0xb5: {  	_ =	strace $0x9000004B  }
0xb6: {  	_ =	sfence  }
0xb7: {  	s30 =	sld [smem:$0x0];
	_ =	sdelay $0x2  }
0xb8: {  	s31 =	sshll.u32 s1, $0xD;
	s1 =	sshrl.u32 s1, $0x2  }
0xb9: {  	s3 =	sand.u32 $0x4000, s31;
	s1 =	sadd.s32 s1, s30  }
0xba: {  	s0 =	sor.u32 s3, s0;
	s1 =	sshll.u32 s1, $0x11  }
0xbb: {  	s0 =	sor.u32 s1, s0  }
0xbc: {  	s0 =	sadd.s32 $0x8F2B, s0  }
0xbd: {  	[sflag:s0] =	ssyncadd.remote.s32 $0x1  }
0xbe: {  	_ =	sfence.sel $0xFFFF  }
0xbf: {  	[dreg:$0x0] =	wrdreg $0xFFFFFFFF;
	(pc) =	sbr.abs _section_cstart, $3  }
0xc0: {  	[dreg:$0x1] =	wrdreg $0xFFFFFFFF  }
0xc1: {  	_ =	task.clear_ibuf [dreg:s6], $0x2FFFF;
	_ =	strace $0x9FFFFFFF  }
0xc2: {  	(tm) =	ssettm $0x7FFFFFFF  }
0xc3: {  	_ =	shalt  }
tec
execute0_lowered:
.L_overlay_start_1:
0x0: {  	(tag) =	ssettag $0x1  }
0x1: {  	s4 =	rddreg [dreg:$0x0];
	s1 =	srdreg.scid  }
0x2: {  	s0 =	stileid.u32;
	s2 =	rddreg [dreg:$0x1]  }
0x3: {  	s3 =	simm.s32 $0x0;
	s5 =	sand.u32 $0x1, s1;
	s1 =	rddreg [dreg:$0x2]  }
0x4: {  	s15 =	simm.s32 $0x0;
	s6 =	smul.u32 $0xC350, s0;
	[smem:$0x7FF] =	sst s3  }
0x5: {  	s11 =	sadd.s32 $0x127A00, s4;
	s29 =	sshll.u32 s0, $0x6;
	s7 =	smul.u32 $0x61A8, s5  }
0x6: {  	s8 =	smul.u32 $0xC3500, s5;
	_ =	strace $0x8000004A;
	s5 =	ssub.s32 $0x2, s5  }
0x7: {  	s26 =	sshrl.u32 s6, $0x3;
	s28 =	sshrl.u32 s5, $0x1;
	s13 =	sadd.s32 s6, s2  }
0x8: {  	s9 =	sadd.s32 s7, s6;
	s25 =	sadd.s32 s6, s8;
	s8 =	sadd.s32 s26, s4  }
0x9: {  	s12 =	ssub.s32 s5, s28;
	s5 =	sor.u32 $0x1C01, s29;
	s10 =	sadd.s32 s9, s4  }
0xa: {  	s7 =	sshrl.u32 s25, $0x3;
	s30 =	sshrl.u32 s9, $0x3;
	s14 =	sadd.s32 $0xC3500, s9  }
0xb: {  	s7 =	sadd.s32 s7, s4;
	s4 =	sadd.s32 $0xC6000, s8;
	s8 =	sadd.s32 $0x189800, s10  }
0xc: {  	s9 =	sadd.s32 s30, s11;
	s31 =	sshrl.u32 s14, $0x3;
	s10 =	sadd.s32 $0x2A00, s10  }
0xd: {  	s14 =	simm.s32 $0x3E8;
	s6 =	sadd.s32 $0xDE800, s7;
	s7 =	smax.u32 s12, $0x1  }
0xe: {  	s11 =	sadd.s32 s31, s11;
	s12 =	sshrl.u32 s13, $0x3;
	s13 =	simm.s32 $0x1  }
.LBB2_1:
0xf: {  	[spmem:s12], [sflag:s5] =	dma.local [hbm:s4], $0x186A  }
0x10: {  	_ =	swait.ge [sflag:s13], $0x186A  }
0x11: {  	[sflag:s13] =	ssyncset.done $0x0  }
0x12: {  	[sflag:s13] =	ssyncadd.s32 $0xFFFFE796  }
0x13: {  	s16 =	sadd.s32 $0x0, s9;
	[bflag:$0x0] =	sbarrier.arrive $0xFFFF  }
0x14: {  	[tilespmem:s3], [sflag:$0x1] =	stream.linear.gather [hbm4b:s16+s3], $0x3E8, $0x38;
	[tilespmem:$0xE678] =	vst v63  }
0x15: {  	_ =	swait.ge [sflag:s13], $0x3E8  }
0x16: {  	[sflag:s13] =	ssyncset.done $0x0  }
0x17: {  	[sflag:s13] =	ssyncadd.s32 $0xFFFFFC18  }
0x18: {  	[tilespmem:s14], [sflag:$0x1] =	stream.linear.gather [hbm4b:s8+s3], $0x1F40, $0x38;
	[tilespmem:$0xE678] =	vst v63  }
0x19: {  	_ =	swait.ge [sflag:s13], $0x1F40  }
0x1a: {  	[sflag:s13] =	ssyncset.done $0x0  }
0x1b: {  	[sflag:s13] =	ssyncadd.s32 $0xFFFFE0C0  }
0x1c: {  	[spmem:s2] =	stream.indirect.scatter.add.f32 [tilespmem:s14], [sflag:$0x1], $0x8, s3, s14, $0xb8;
	[tilespmem:$0xE678] =	vst v63  }
0x1d: {  	s19 =	sadd.s32 $0x7D, s9;
	_ =	swait.ge [sflag:s13], $0x1F40  }
0x1e: {  	s18 =	simm.s32 $0xFA;
	s16 =	sadd.s32 $0x3E8, s8;
	[sflag:s13] =	ssyncset.done $0x0  }
.LBB2_2:
0x1f: {  	s20 =	sadd.s32 s18, s9;
	s17 =	simm.s32 $0x0;
	[sflag:s13] =	ssyncadd.s32 $0xFFFFE0C0  }
0x20: {  	[tilespmem:s17], [sflag:$0x1] =	stream.linear.gather [hbm4b:s19+s17], $0x3E8, $0x38;
	[tilespmem:$0xE678] =	vst v63  }
0x21: {  	p0 =	sne.s32 s18, $0xBB8;
	s18 =	sadd.s32 $0x7D, s18;
	_ =	swait.ge [sflag:s13], $0x3E8  }
0x22: {  	s19 =	smov.u32 s20;
	[sflag:s13] =	ssyncset.done $0x0  }
0x23: {  	[sflag:s13] =	ssyncadd.s32 $0xFFFFFC18  }
0x24: {  	[tilespmem:s14], [sflag:$0x1] =	stream.linear.gather [hbm4b:s16+s17], $0x1F40, $0x38;
	[tilespmem:$0xE678] =	vst v63  }
0x25: {  	_ =	swait.ge [sflag:s13], $0x1F40  }
.Ltmp0:
0x26: {  	[sflag:s13] =	ssyncset.done $0x0;
	(pc) =	sbr.rel @p0 .LBB2_2-.Ltmp0, $4  }
0x27: {  	[sflag:s13] =	ssyncadd.s32 $0xFFFFE0C0  }
0x28: {  	[spmem:s2] =	stream.indirect.scatter.add.f32 [tilespmem:s14], [sflag:$0x1], $0x8, s17, s14, $0xb8;
	[tilespmem:$0xE678] =	vst v63  }
0x29: {  	_ =	swait.ge [sflag:s13], $0x1F40  }
0x2a: {  	s16 =	sadd.s32 $0x3E8, s16;
	[sflag:s13] =	ssyncset.done $0x0  }
0x2b: {  	[sflag:s13] =	ssyncadd.s32 $0xFFFFE0C0  }
0x2c: {  	[tilespmem:s17], [sflag:$0x1] =	stream.linear.gather [hbm4b:s19+s17], $0x3E8, $0x38;
	[tilespmem:$0xE678] =	vst v63  }
0x2d: {  	_ =	swait.ge [sflag:s13], $0x3E8  }
0x2e: {  	[sflag:s13] =	ssyncset.done $0x0  }
0x2f: {  	[sflag:s13] =	ssyncadd.s32 $0xFFFFFC18  }
0x30: {  	[tilespmem:s14], [sflag:$0x1] =	stream.linear.gather [hbm4b:s16+s17], $0x1F40, $0x38;
	[tilespmem:$0xE678] =	vst v63  }
0x31: {  	_ =	swait.ge [sflag:s13], $0x1F40  }
0x32: {  	p1 =	por $0x1, $0x1;
	[sflag:s13] =	ssyncset.done $0x0  }
.Ltmp1:
0x33: {  	[sflag:s13] =	ssyncadd.s32 $0xFFFFE0C0;
	(pc) =	sbr.rel @!p1 .LBB2_8-.Ltmp1, $4  }
0x34: {  	[spmem:s2] =	stream.indirect.scatter.add.f32 [tilespmem:s14], [sflag:$0x1], $0x8, s17, s14, $0xb8;
	[tilespmem:$0xE678] =	vst v63  }
0x35: {  	_ =	swait.ge [sflag:s13], $0x1F40  }
0x36: {  	p0 =	por $0x0, $0x0;
	[sflag:s13] =	ssyncset.done $0x0  }
0x37: {  	s18 =	smov.u32 s10;
	s16 =	simm.s32 $0x7D;
	[sflag:s13] =	ssyncadd.s32 $0xFFFFE0C0  }
0x38: {  	s17 =	sadd.s32 $0x0, s11  }
0x39: {  	[tilespmem:s3], [sflag:$0x1] =	stream.linear.gather [hbm4b:s17+s3], $0x3E8, $0x38;
	[tilespmem:$0xE678] =	vst v63  }
0x3a: {  	_ =	swait.ge [sflag:s13], $0x3E8  }
0x3b: {  	[sflag:s13] =	ssyncset.done $0x0  }
0x3c: {  	[sflag:s13] =	ssyncadd.s32 $0xFFFFFC18  }
0x3d: {  	[tilespmem:s14], [sflag:$0x1] =	stream.linear.gather [hbm4b:s10+s3], $0x1F40, $0x38;
	[tilespmem:$0xE678] =	vst v63  }
0x3e: {  	p1 =	por $0x1, $0x1;
	_ =	swait.ge [sflag:s13], $0x1F40  }
.Ltmp2:
0x3f: {  	[sflag:s13] =	ssyncset.done $0x0;
	(pc) =	sbr.rel @!p1 .LBB2_5-.Ltmp2, $4  }
0x40: {  	[sflag:s13] =	ssyncadd.s32 $0xFFFFE0C0  }
0x41: {  	[spmem:s2] =	stream.indirect.scatter.add.f32 [tilespmem:s14], [sflag:$0x1], $0x8, s3, s14, $0xb8;
	[tilespmem:$0xE678] =	vst v63  }
0x42: {  	s18 =	sadd.s32 $0x3E8, s10;
	_ =	swait.ge [sflag:s13], $0x1F40  }
0x43: {  	p0 =	por $0x1, $0x1;
	s17 =	simm.s32 $0xFA;
	[sflag:s13] =	ssyncset.done $0x0  }
.LBB2_6:
0x44: {  	s19 =	sadd.s32 s16, s11  }
0x45: {  	[sflag:s13] =	ssyncadd.s32 $0xFFFFE0C0;
	s16 =	smov.u32 s17;
	s20 =	sadd.s32 $0x7D, s17  }
0x46: {  	[tilespmem:s3], [sflag:$0x1] =	stream.linear.gather [hbm4b:s19+s3], $0x3E8, $0x38;
	[tilespmem:$0xE678] =	vst v63  }
0x47: {  	p1 =	sne.s32 s17, $0xBB8;
	_ =	swait.ge [sflag:s13], $0x3E8  }
0x48: {  	[sflag:s13] =	ssyncset.done $0x0  }
0x49: {  	[sflag:s13] =	ssyncadd.s32 $0xFFFFFC18  }
0x4a: {  	[tilespmem:s14], [sflag:$0x1] =	stream.linear.gather [hbm4b:s18+s3], $0x1F40, $0x38;
	[tilespmem:$0xE678] =	vst v63  }
0x4b: {  	_ =	swait.ge [sflag:s13], $0x1F40  }
.Ltmp3:
0x4c: {  	[sflag:s13] =	ssyncset.done $0x0;
	(pc) =	sbr.rel @p1 .LBB2_6-.Ltmp3, $4  }
0x4d: {  	[sflag:s13] =	ssyncadd.s32 $0xFFFFE0C0  }
0x4e: {  	[spmem:s2] =	stream.indirect.scatter.add.f32 [tilespmem:s14], [sflag:$0x1], $0x8, s3, s14, $0xb8;
	[tilespmem:$0xE678] =	vst v63  }
0x4f: {  	_ =	swait.ge [sflag:s13], $0x1F40  }
0x50: {  	s17 =	smov.u32 s20;
	s18 =	sadd.s32 $0x3E8, s18;
	[sflag:s13] =	ssyncset.done $0x0  }
0x51: {  	s17 =	smov.u32 s16  }
.LBB2_8:
0x52: {  	s16 =	sadd.s32 s17, s11;
	[sflag:s13] =	ssyncadd.s32 @p0 $0xFFFFE0C0  }
0x53: {  	[tilespmem:s3], [sflag:$0x1] =	stream.linear.gather [hbm4b:s16+s3], $0x3E8, $0x38;
	[tilespmem:$0xE678] =	vst v63  }
0x54: {  	_ =	swait.ge [sflag:s13], $0x3E8  }
0x55: {  	[sflag:s13] =	ssyncset.done $0x0  }
0x56: {  	[sflag:s13] =	ssyncadd.s32 $0xFFFFFC18  }
0x57: {  	[tilespmem:s14], [sflag:$0x1] =	stream.linear.gather [hbm4b:s18+s3], $0x1F40, $0x38;
	[tilespmem:$0xE678] =	vst v63  }
0x58: {  	_ =	swait.ge [sflag:s13], $0x1F40  }
0x59: {  	[sflag:s13] =	ssyncset.done $0x0  }
0x5a: {  	[sflag:s13] =	ssyncadd.s32 $0xFFFFE0C0  }
0x5b: {  	[spmem:s2] =	stream.indirect.scatter.add.f32 [tilespmem:s14], [sflag:$0x1], $0x8, s3, s14, $0xb8;
	[tilespmem:$0xE678] =	vst v63  }
0x5c: {  	_ =	swait.ge [sflag:s13], $0x1F40  }
0x5d: {  	[sflag:s13] =	ssyncset.done $0x0  }
0x5e: {  	s15 =	sadd.s32 $0x1, s15;
	[sflag:s13] =	ssyncadd.s32 $0xFFFFE0C0  }
0x5f: {  	p0 =	sne.s32 s15, s7;
	[bflag:$0x0] =	sbarrier.arrive $0xFFFF  }
0x60: {  	[hbm:s6], [sflag:s5] =	dma.local [spmem:s12], $0x186A  }
.Ltmp4:
0x61: {  	_ = 	snop;
	(pc) =	sbr.rel @p0 .LBB2_1-.Ltmp4, $4  }
.Ltmp5:
0x62: {  	_ = 	snop;
	(pc) =	sbr.rel @!p0 .LBB2_9-.Ltmp5, $4  }
0x63: {  	_ =	swait.ge [sflag:s13], $0x186A  }
0x64: {  	[sflag:s13] =	ssyncset.done $0x0  }
0x65: {  	[sflag:s13] =	ssyncadd.s32 $0xFFFFE796  }
0x66: {  	_ = 	snop  }
.LBB2_5:
.Ltmp6:
0x67: {  	(pc) =	sbr.rel .LBB2_8-.Ltmp6, $2  }
0x68: {  	_ =	sdelay $0x2  }
0x69: {  	s17 =	simm.s32 $0x7D  }
.LBB2_9:
0x6a: {  	_ =	sfence.sel $0x180000  }
0x6b: {  	[bflag:$0x0] =	sbarrier.arrive $0xFFFF  }
0x6c: {  	p0 =	sne.s32 s0, $0x0;
	_ =	strace $0x9000004A  }
0x6d: {  	s0 =	sadd.s32 @!p0 $0x100000, s1;
	[bflag:$0x2] =	sbarrier.arrive $0xFFFF  }
0x6e: {  	[sflag:s0] =	ssyncadd.tile.s32 @!p0 $0x1;
	_ =	shalt  }
.Lfunc_end2:
_tile_overlayer_lowered:
.L_overlay_start_2:
0x6f: {  	(tag) =	ssettag $0x2  }
0x70: {  	s0 =	rddreg [dreg:$0x0];
	s2 =	stileid.u32  }
0x71: {  	s1 =	rddreg [dreg:$0x1];
	p0 =	sne.s32 s2, $0x0  }
0x72: {  	s3 =	rddreg [dreg:$0x2];
	[bflag:$0x3] =	sbarrier.arrive $0xFFFF;
	s2 =	simm.s32 @!p0 $0x1C01  }
0x73: {  	[timem:s3], [sflag:s2] =	dma.local @!p0 [hbm:s0], s1  }
0x74: {  	s0 =	simm.s32 @!p0 $0x1  }
0x75: {  	_ =	swait.ge @!p0 [sflag:s0], s1  }
0x76: {  	s1 =	ssub.s32 @!p0 $0x0, s1;
	[sflag:s0] =	ssyncset.done @!p0 $0x0  }
0x77: {  	[sflag:s0] =	ssyncadd.s32 @!p0 s1  }
0x78: {  	[bflag:$0x3] =	sbarrier.arrive $0xFFFF  }
0x79: {  	_ =	shalt  }

// kernel: kernel.7.cloned.1.call-start
scs
__scs_entry_jumppad:
0x0: {  	(pc) =	sbr.rel $0x88, $3  }
0x1: {  	(tag) =	ssettag $0x0;
	lr =	simm.s32 $0x1  }
0x2: {  	[smem:$0x3F91] =	sst lr;
	_ =	strace $0xD0000000  }
0x3: {  	_ = 	snop  }
0x4: {  	_ = 	snop  }
0x5: {  	_ = 	snop  }
0x6: {  	_ = 	snop  }
0x7: {  	_ = 	snop  }
__scs_overlays_trampoline_lowered:
0x8: {  	[smem:$0x3FA0] =	sst s0  }
0x9: {  	[smem:$0x3FA1] =	sst s1  }
0xa: {  	[smem:$0x3FA2] =	sst s2  }
0xb: {  	[smem:$0x3FA3] =	sst s3  }
0xc: {  	[smem:$0x3FA4] =	sst s4  }
0xd: {  	[smem:$0x3FA5] =	sst s5  }
0xe: {  	[smem:$0x3FA6] =	sst s6  }
0xf: {  	[smem:$0x3FA7] =	sst s7  }
0x10: {  	[smem:$0x3FA8] =	sst s8  }
0x11: {  	[smem:$0x3FA9] =	sst s9;
	s0 =	simm.s32 @!p0 $0x0  }
0x12: {  	s1 =	sld [smem:$0x3F8F];
	s0 =	simm.s32 @p0 $0x1  }
0x13: {  	[smem:$0x3FAA] =	sst s0;
	s0 =	simm.s32 @!p1 $0x0  }
0x14: {  	s2 =	sld [smem:$0x3F8E];
	s0 =	simm.s32 @p1 $0x1  }
0x15: {  	[smem:$0x3FAB] =	sst s0;
	s0 =	simm.s32 @!p2 $0x0  }
0x16: {  	s3 =	sld [smem:$0x3FDB];
	s0 =	simm.s32 @p2 $0x1  }
0x17: {  	s4 =	simm.s32 $0x1BF5;
	[smem:$0x3FAD] =	sst s0  }
0x18: {  	s0 =	sld [smem:$0x3F90];
	_ =	swait.ge [sflag:s4], $0x0  }
0x19: {  	s7 =	sld [smem:$0x3F91]  }
0x1a: {  	s8 =	sadd.s32 $0xFFFFE003, lr  }
0x1b: {  	s9 =	sadd.s32 $0xFFFFFEF7, lr;
	s5 =	simm.s32 $0xFFFFFFFF;
	p2 =	slt.u32 s8, $0xFFFFF086  }
0x1c: {  	p1 =	slt.u32 s9, $0xF7A;
	s5 =	simm.s32 @!p2 $0x0  }
0x1d: {  	s5 =	simm.s32 @p1 $0x1;
	p0 =	seq.s32 s7, s2  }
0x1e: {  	s7 =	smul.u32 @!p0 $0xF7A, s2;
	p2 =	seq.s32 @!p0 s5, $0x0  }
0x1f: {  	s9 =	smul.u32 $0xF7A, s1;
	s8 =	simm.s32 @!p0 $0x1BF5;
	p2 =	por !p2, p0  }
0x20: {  	[sflag:s8] =	ssyncset.s32 @!p0 $0xFFFFF086;
	s6 =	sadd.s32 @!p0 s3, s7;
	s7 =	simm.s32 @!p0 $0x108  }
0x21: {  	s3 =	sadd.s32 s3, s9;
	s6 =	sadd.s32 @!p0 $0x88, s6;
	s7 =	simm.s32 @p2 $0x1082  }
0x22: {  	[simem:s7], [sflag:s8] =	dma.local @!p0 [hbm:s6], $0xF7A  }
0x23: {  	s9 =	sor.u32 $0xD0000000, s2;
	s6 =	simm.s32 $0x108;
	_ =	swait.ge @!p0 [sflag:s8], $0x0  }
0x24: {  	s3 =	sadd.s32 $0x88, s3;
	s6 =	simm.s32 @!p1 $0x1082;
	[sflag:s4] =	ssyncset.s32 $0xFFFFF086  }
0x25: {  	[simem:s6], [sflag:s4] =	dma.local [hbm:s3], $0xF7A  }
0x26: {  	[smem:$0x3F91] =	sst s1;
	(tag) =	ssettag s2;
	_ =	strace s9  }
0x27: {  	s1 =	sld [smem:$0x3FA1]  }
0x28: {  	s2 =	sld [smem:$0x3FA2]  }
0x29: {  	s4 =	sld [smem:$0x3FA4]  }
0x2a: {  	p0 =	seq.s32 s5, $0x0;
	s5 =	sld [smem:$0x3FA5]  }
0x2b: {  	s6 =	sld [smem:$0x3FA6]  }
0x2c: {  	s7 =	sld [smem:$0x3FA7]  }
0x2d: {  	s3 =	simm.s32 $0x108;
	s8 =	sld [smem:$0x3FA8]  }
0x2e: {  	s3 =	simm.s32 @!p0 $0x1082;
	s9 =	sld [smem:$0x3FA9]  }
0x2f: {  	lr =	sadd.s32 s0, s3;
	s0 =	sld [smem:$0x3FA0]  }
0x30: {  	s3 =	sld [smem:$0x3FA3]  }
0x31: {  	[smem:$0x3FAC] =	sst s10  }
0x32: {  	s10 =	sld [smem:$0x3FAA];
	_ =	sdelay $0x3  }
0x33: {  	p0 =	seq.s32 s10, $0x1;
	s10 =	sld [smem:$0x3FAC];
	_ =	sdelay $0x3  }
0x34: {  	[smem:$0x3FAC] =	sst s10  }
0x35: {  	s10 =	sld [smem:$0x3FAB];
	_ =	sdelay $0x3  }
0x36: {  	p1 =	seq.s32 s10, $0x1;
	s10 =	sld [smem:$0x3FAC];
	_ =	sdelay $0x3  }
0x37: {  	[smem:$0x3FAC] =	sst s10  }
0x38: {  	s10 =	sld [smem:$0x3FAD]  }
0x39: {  	_ = 	snop;
	(pc) =	sbr.ind lr, $3  }
0x3a: {  	_ = 	snop  }
0x3b: {  	_ = 	snop  }
0x3c: {  	p2 =	seq.s32 s10, $0x1;
	s10 =	sld [smem:$0x3FAC]  }
0x3d: {  	_ =	shalt  }
0x3e: {  	_ =	shalt  }
0x3f: {  	_ =	shalt  }
0x40: {  	_ =	shalt  }
0x41: {  	_ =	shalt  }
0x42: {  	_ =	shalt  }
0x43: {  	_ =	shalt  }
0x44: {  	_ =	shalt  }
0x45: {  	_ =	shalt  }
0x46: {  	_ =	shalt  }
0x47: {  	_ =	shalt  }
0x48: {  	_ =	shalt  }
0x49: {  	_ =	shalt  }
0x4a: {  	_ =	shalt  }
0x4b: {  	_ =	shalt  }
0x4c: {  	_ =	shalt  }
0x4d: {  	_ =	shalt  }
0x4e: {  	_ =	shalt  }
0x4f: {  	_ =	shalt  }
0x50: {  	_ =	shalt  }
0x51: {  	_ =	shalt  }
0x52: {  	_ =	shalt  }
0x53: {  	_ =	shalt  }
0x54: {  	_ =	shalt  }
0x55: {  	_ =	shalt  }
0x56: {  	_ =	shalt  }
0x57: {  	_ =	shalt  }
0x58: {  	_ =	shalt  }
0x59: {  	_ =	shalt  }
0x5a: {  	_ =	shalt  }
0x5b: {  	_ =	shalt  }
0x5c: {  	_ =	shalt  }
0x5d: {  	_ =	shalt  }
0x5e: {  	_ =	shalt  }
0x5f: {  	_ =	shalt  }
0x60: {  	_ =	shalt  }
0x61: {  	_ =	shalt  }
0x62: {  	_ =	shalt  }
0x63: {  	_ =	shalt  }
0x64: {  	_ =	shalt  }
0x65: {  	_ =	shalt  }
0x66: {  	_ =	shalt  }
0x67: {  	_ =	shalt  }
0x68: {  	_ =	shalt  }
0x69: {  	_ =	shalt  }
0x6a: {  	_ =	shalt  }
0x6b: {  	_ =	shalt  }
0x6c: {  	_ =	shalt  }
0x6d: {  	_ =	shalt  }
0x6e: {  	_ =	shalt  }
0x6f: {  	_ =	shalt  }
0x70: {  	_ =	shalt  }
0x71: {  	_ =	shalt  }
0x72: {  	_ =	shalt  }
0x73: {  	_ =	shalt  }
0x74: {  	_ =	shalt  }
0x75: {  	_ =	shalt  }
0x76: {  	_ =	shalt  }
0x77: {  	_ =	shalt  }
0x78: {  	_ =	shalt  }
0x79: {  	_ =	shalt  }
0x7a: {  	_ =	shalt  }
0x7b: {  	_ =	shalt  }
0x7c: {  	_ =	shalt  }
0x7d: {  	_ =	shalt  }
0x7e: {  	_ =	shalt  }
0x7f: {  	_ =	shalt  }
0x80: {  	_ =	shalt  }
0x81: {  	_ =	shalt  }
0x82: {  	_ =	shalt  }
0x83: {  	_ =	shalt  }
0x84: {  	_ =	shalt  }
0x85: {  	_ =	shalt  }
0x86: {  	_ =	shalt  }
0x87: {  	_ =	shalt  }
.Lfunc_end0:
.L_simem_size_0:
called_computation_lowered:
.L_overlay_start_0:
0x88: {  	s2 =	sld [smem:$0x3FD9]  }
0x89: {  	s3 =	sld [smem:$0x3FFE];
	_ =	sdelay $0x1  }
0x8a: {  	s1 =	srdreg.scid  }
0x8b: {  	s0 =	sand.u32 $0x1, s1  }
0x8c: {  	s16 =	sshll.u32 s0, $0xA;
	s2 =	sadd.s32 s3, s2  }
0x8d: {  	s2 =	sadd.s32 s2, s16  }
0x8e: {  	[smem:$0x3FB8] =	sst s2  }
0x8f: {  	_ = 	snop  }
0x90: {  	(tm) =	ssettm $0x1  }
0x91: {  	s17 =	sld [smem:$0x3FFB];
	_ =	sdelay $0x3  }
0x92: {  	_ =	strace s17  }
0x93: {  	s2 =	sld [smem:$0x3FFC];
	_ =	sdelay $0x3  }
0x94: {  	_ =	strace s2  }
0x95: {  	s2 =	sld [smem:$0x3FFD];
	_ =	sdelay $0x3  }
0x96: {  	_ =	strace s2  }
0x97: {  	_ =	strace $0x8FFFFFFF  }
0x98: {  	s18 =	sld [smem:$0x3FDB];
	_ =	sdelay $0x1  }
0x99: {  	s19 =	simm.s32 $_scs_section_size  }
0x9a: {  	s4 =	simm.s32 $_size__tile_overlayer_lowered;
	s5 =	simm.s32 $_tile_overlayer_lowered  }
0x9b: {  	s22 =	simm.s32 $0x1BFF;
	s21 =	sshll.u32 s5, $0x1;
	s2 =	sadd.s32 s19, s18  }
0x9c: {  	s6 =	simm.s32 $0x0;
	s20 =	sshll.u32 s4, $0x1;
	s4 =	sadd.s32 s21, s2  }
0x9d: {  	[timem:s6], [sflag:s22] =	dma.local [hbm:s4], s20  }
0x9e: {  	_ =	swait.ge [sflag:s22], s20  }
0x9f: {  	s3 =	ssub.s32 $0x0, s20;
	[sflag:s22] =	ssyncset.done $0x0  }
0xa0: {  	[sflag:s22] =	ssyncadd.s32 s3;
	_ =	sdelay $0x1  }
0xa1: {  	s23 =	simm.s32 $0x1B8B  }
0xa2: {  	_ =	swait.ge [sflag:s23], $0x1  }
0xa3: {  	[sflag:s23] =	ssyncset.done $0x0  }
0xa4: {  	s25 =	simm.s32 $0x1B8E;
	s24 =	sld [smem:$0x3FFE];
	[sflag:s23] =	ssyncadd.s32 $0xFFFFFFFF  }
0xa5: {  	s26 =	simm.s32 $execute0_lowered;
	[smem:$0x3FD2] =	sst s25  }
0xa6: {  	s4 =	sshll.u32 s26, $0x1;
	_ =	strace $0x80000046;
	[dreg:$0x1] =	wrdreg $0xFFFFFFFF  }
0xa7: {  	s28 =	simm.s32 $_size_execute0_lowered;
	s2 =	sadd.s32 s2, s4;
	[dreg:$0x0] =	wrdreg $0x0  }
0xa8: {  	s4 =	sshll.u32 s28, $0x1;
	[dreg:$0x2] =	wrdreg s2  }
0xa9: {  	[dreg:$0x3] =	wrdreg s4  }
0xaa: {  	[dreg:$0x4] =	wrdreg $0xC0  }
0xab: {  	_ =	task [dreg:s6], $0x5FFFF  }
0xac: {  	[dreg:$0x1] =	wrdreg $0xFFFFFFFF  }
0xad: {  	[dreg:$0x0] =	wrdreg $0x60  }
0xae: {  	[dreg:$0x2] =	wrdreg s24  }
0xaf: {  	[dreg:$0x3] =	wrdreg $0x9  }
0xb0: {  	_ =	task.clear_ibuf [dreg:s6], $0x4FFFF;
	_ =	strace $0x90000046  }
0xb1: {  	s29 =	simm.s32 $0x9;
	_ =	strace $0x80000048  }
0xb2: {  	_ =	swait.ge [sflag:s29], $0x1  }
0xb3: {  	[sflag:s29] =	ssyncadd.s32 $0xFFFFFFFF  }
0xb4: {  	_ =	strace $0x90000048  }
0xb5: {  	_ =	sfence  }
0xb6: {  	s30 =	sld [smem:$0x0];
	_ =	sdelay $0x2  }
0xb7: {  	s31 =	sshll.u32 s1, $0xD;
	s1 =	sshrl.u32 s1, $0x2  }
0xb8: {  	s3 =	sand.u32 $0x4000, s31;
	s1 =	sadd.s32 s1, s30  }
0xb9: {  	s0 =	sor.u32 s3, s0;
	s1 =	sshll.u32 s1, $0x11  }
0xba: {  	s0 =	sor.u32 s1, s0  }
0xbb: {  	s0 =	sadd.s32 $0x8F2B, s0  }
0xbc: {  	[sflag:s0] =	ssyncadd.remote.s32 $0x1  }
0xbd: {  	_ =	sfence.sel $0xFFFF  }
0xbe: {  	[dreg:$0x0] =	wrdreg $0xFFFFFFFF;
	(pc) =	sbr.abs _section_cstart, $3  }
0xbf: {  	[dreg:$0x1] =	wrdreg $0xFFFFFFFF  }
0xc0: {  	_ =	task.clear_ibuf [dreg:s6], $0x2FFFF;
	_ =	strace $0x9FFFFFFF  }
0xc1: {  	(tm) =	ssettm $0x7FFFFFFF  }
tec
execute0_lowered:
.L_overlay_start_1:
0x0: {  	(tag) =	ssettag $0x1  }
0x1: {  	s7 =	rddreg [dreg:$0x0]  }
0x2: {  	s0 =	rddreg [dreg:$0x1];
	s1 =	simm.s32 $0x0;
	s8 =	srdreg.scid  }
0x3: {  	s2 =	stileid.u32;
	s13 =	simm.s32 $0x2;
	s14 =	simm.s32 $0x7D0  }
0x4: {  	s15 =	simm.s32 $0xFA0;
	s16 =	simm.s32 $0x1;
	s17 =	simm.s32 $0x30  }
0x5: {  	s18 =	simm.s32 $0x80;
	s19 =	simm.s32 $0x0;
	[smem:$0x7FF] =	sst s1  }
0x6: {  	v0 =	vlaneseq.u32;
	s3 =	sadd.s32 $0x127A00, s7;
	s4 =	sadd.s32 $0x95200, s7;
	s5 =	sadd.s32 $0x2A00, s7  }
0x7: {  	s6 =	sadd.s32 $0x189800, s7;
	s8 =	sand.u32 $0x1, s8;
	s9 =	sshll.u32 s2, $0x1;
	v6 =	vmul.u32 $0x30, v0  }
0x8: {  	s7 =	sadd.s32 $0x189A00, s7;
	s11 =	sshrl.u32 s2, $0x3;
	s10 =	ssub.s32 $0x2, s8  }
0x9: {  	s8 =	sor.u32 s8, s9;
	s9 =	smul.u32 $0xFFF3CB00, s11;
	s31 =	sshrl.u32 s10, $0x1;
	v0 =	vadd.s32 $0x20, v6  }
0xa: {  	_ =	strace $0x80000047;
	s8 =	smul.u32 $0xC350, s8;
	v1 =	vadd.s32 $0x21, v6;
	v2 =	vadd.s32 $0x22, v6;
	v3 =	vadd.s32 $0x23, v6;
	s12 =	ssub.s32 s10, s31  }
0xb: {  	v4 =	vadd.s32 $0x24, v6;
	v5 =	vadd.s32 $0x25, v6;
	v6 =	vadd.s32 $0x26, v6;
	s10 =	sshll.u32 s11, $0x6;
	s11 =	smax.u32 s12, $0x1;
	s12 =	simm.s32 $0x186A0  }
.LBB2_1:
0xc: {  	[tilespmem:s12], [sflag:$0x2] =	stream.linear.gather [hbm4b:s6+s1], $0x10, $0x38;
	[tilespmem:$0x186B0] =	vst v63  }
0xd: {  	_ =	swait.ge [sflag:s13], $0x10  }
0xe: {  	[sflag:s13] =	ssyncset.done $0x0  }
0xf: {  	[sflag:s13] =	ssyncadd.s32 $0xFFFFFFF0  }
0x10: {  	v7 =	vld [tilespmem:$0x186A0];
	_ =	sdelay $0x4  }
0x11: {  	s20 =	simm.s32 $0x0;
	v8 =	vmul.f32 $5.000000000e-01, v7;
	v9 =	vmul.f32 $-5.000000000e-01, v7  }
.LBB2_2:
0x12: {  	s21 =	smul.u32 $0x7D0, s20;
	_ =	sdelay $0x1  }
0x13: {  	s21 =	sadd.s32 s8, s21  }
0x14: {  	s22 =	sshrl.u32 s21, $0x3  }
0x15: {  	s23 =	simm.s32 $0x0;
	s22 =	sadd.s32 s3, s22  }
0x16: {  	[tilespmem:s23], [sflag:$0x2] =	stream.linear.gather [hbm4b:s22+s23], $0x7D0, $0x38;
	[tilespmem:$0x186B0] =	vst v63  }
0x17: {  	_ =	swait.ge [sflag:s13], $0x7D0  }
0x18: {  	[sflag:s13] =	ssyncset.done $0x0  }
0x19: {  	s22 =	sadd.s32 $0x30D40, s22;
	[sflag:s13] =	ssyncadd.s32 $0xFFFFF830  }
0x1a: {  	[tilespmem:s14], [sflag:$0x2] =	stream.linear.gather [hbm4b:s22+s23], $0x7D0, $0x38;
	[tilespmem:$0x186B0] =	vst v63  }
0x1b: {  	_ =	swait.ge [sflag:s13], $0x7D0  }
0x1c: {  	v10 =	vmov s23;
	[sflag:s13] =	ssyncset.done $0x0  }
0x1d: {  	v10 =	vmul.u32 $0x30, v10;
	[sflag:s13] =	ssyncadd.s32 $0xFFFFF830  }
0x1e: {  	[tilespmem:s15], [sflag:$0x1] =	stream.indirect.gather [hbm4b:s4+s14], $0x30, s23, s14, $0xb8;
	[tilespmem:$0x186B0] =	vst v63  }
0x1f: {  	v11 =	vbroadcast v10, $0x0;
	_ =	swait.ge [sflag:s16], $0x17700  }
0x20: {  	[sflag:s16] =	ssyncset.done $0x0  }
0x21: {  	v10 =	vadd.s32 v0, v11;
	[sflag:s16] =	ssyncadd.s32 $0xFFFE8900  }
0x22: {  	v12 =	vadd.s32 v1, v11;
	[tilespmem:s15], [sflag:$0x1] =	stream.indirect.gather.add.f32 [hbm:s5], $0x30, s14, s14, $0xb8;
	[tilespmem:$0x186B0] =	vst v63  }
0x23: {  	_ =	swait.ge [sflag:s16], $0x17700  }
0x24: {  	v13 =	vadd.s32 v2, v11;
	[sflag:s16] =	ssyncset.done $0x0  }
0x25: {  	[sflag:s16] =	ssyncadd.s32 $0xFFFE8900  }
0x26: {  	v14 =	vld.idx.msk [tilespmem:v10+s15+$0x0], $0xffff  }
0x27: {  	v15 =	vld.idx.msk [tilespmem:v12+s15+$0x0], $0xffff;
	_ =	sdelay $0x1  }
0x28: {  	v16 =	vld.idx.msk [tilespmem:v13+s15+$0x0], $0xffff;
	_ =	sdelay $0x1  }
0x29: {  	v17 =	vsub.f32 v14, v7  }
0x2a: {  	vm0 =	vgt.f32 v14, v8;
	v18 =	vsub.f32 v15, v7  }
0x2b: {  	v21 =	vadd.s32 v3, v11;
	vm1 =	vgt.f32 v15, v8;
	v14 =	vsel vm0, v17, v14  }
0x2c: {  	v17 =	vsub.f32 v16, v7;
	v15 =	vsel vm1, v18, v15;
	v19 =	vadd.f32 v14, v7  }
0x2d: {  	vm14 =	vgt.f32 v16, v8;
	vm15 =	vlt.f32 v14, v9;
	v18 =	vadd.f32 v15, v7  }
0x2e: {  	vm2 =	vlt.f32 v15, v9;
	v16 =	vsel vm14, v17, v16;
	v14 =	vsel vm15, v19, v14  }
0x2f: {  	s31 =	simm.s32 $0x10;
	v17 =	vadd.f32 v16, v7;
	v15 =	vsel vm2, v18, v15;
	vm0 =	vlt.f32 v16, v9  }
0x30: {  	v19 =	vmov s31;
	v18 =	vmul.f32 v14, v14;
	v20 =	vmul.f32 v15, v15  }
0x31: {  	v63 =	vadd.s32 v4, v11;
	[tilespmem:v10+s15+$0x0] =	vst.idx.msk $0xffff, v14;
	v16 =	vsel vm0, v17, v16;
	v17 =	vmul.u32 $0x30, v19  }
0x32: {  	[tilespmem:v12+s15+$0x0] =	vst.idx.msk $0xffff, v15;
	v19 =	vmul.f32 v16, v16;
	v18 =	vadd.f32 v20, v18  }
0x33: {  	[tilespmem:v13+s15+$0x0] =	vst.idx.msk $0xffff, v16;
	v16 =	vadd.s32 v5, v11;
	v10 =	vbroadcast v17, $0x0  }
0x34: {  	v15 =	vadd.s32 v6, v11;
	v14 =	vadd.f32 v19, v18  }
0x35: {  	v13 =	vadd.s32 v0, v10  }
0x36: {  	v12 =	vadd.s32 v1, v10;
	[tilespmem:v21+s15+$0x0] =	vst.idx.msk $0xffff, v14  }
0x37: {  	s22 =	simm.s32 $0x20;
	v11 =	vadd.s32 v2, v10;
	[tilespmem:v63+s15+$0x0] =	vst.idx.msk $0xffff, v14  }
.LBB2_3:
0x38: {  	p0 =	sne.s32 s22, $0x7C0;
	[tilespmem:v16+s15+$0x0] =	vst.idx.msk $0xffff, v14;
	s23 =	smov.u32 s22;
	s22 =	sadd.s32 $0x10, s22  }
0x39: {  	[tilespmem:v15+s15+$0x0] =	vst.idx.msk $0xffff, v14  }
0x3a: {  	v14 =	vld.idx.msk [tilespmem:v13+s15+$0x0], $0xffff  }
0x3b: {  	v15 =	vld.idx.msk [tilespmem:v12+s15+$0x0], $0xffff  }
0x3c: {  	v16 =	vld.idx.msk [tilespmem:v11+s15+$0x0], $0xffff;
	_ =	sdelay $0x3  }
0x3d: {  	v17 =	vsub.f32 v14, v7  }
0x3e: {  	vm0 =	vgt.f32 v14, v8;
	vm1 =	vgt.f32 v15, v8;
	v18 =	vsub.f32 v15, v7  }
0x3f: {  	v14 =	vsel vm0, v17, v14;
	vm0 =	vgt.f32 v16, v8;
	v17 =	vsub.f32 v16, v7  }
0x40: {  	vm2 =	vlt.f32 v14, v9;
	v19 =	vadd.f32 v14, v7;
	v15 =	vsel vm1, v18, v15  }
0x41: {  	vm1 =	vlt.f32 v15, v9;
	v18 =	vadd.f32 v15, v7;
	v16 =	vsel vm0, v17, v16  }
0x42: {  	v14 =	vsel vm2, v19, v14;
	v17 =	vadd.f32 v16, v7;
	v19 =	vadd.s32 v3, v10  }
0x43: {  	vm0 =	vlt.f32 v16, v9;
	v15 =	vsel vm1, v18, v15;
	v18 =	vmul.f32 v14, v14  }
0x44: {  	v20 =	vmov s23;
	v16 =	vsel vm0, v17, v16;
	v17 =	vmul.f32 v15, v15;
	[tilespmem:v13+s15+$0x0] =	vst.idx.msk $0xffff, v14  }
0x45: {  	v13 =	vmul.u32 $0x30, v20;
	v14 =	vmul.f32 v16, v16;
	v20 =	vadd.s32 v4, v10;
	[tilespmem:v12+s15+$0x0] =	vst.idx.msk $0xffff, v15  }
0x46: {  	v12 =	vadd.f32 v17, v18;
	[tilespmem:v11+s15+$0x0] =	vst.idx.msk $0xffff, v16;
	v16 =	vadd.s32 v5, v10  }
.Ltmp0:
0x47: {  	v15 =	vadd.s32 v6, v10;
	v10 =	vbroadcast v13, $0x0;
	(pc) =	sbr.rel @p0 .LBB2_3-.Ltmp0, $4  }
0x48: {  	v14 =	vadd.f32 v14, v12  }
0x49: {  	v13 =	vadd.s32 v0, v10;
	v12 =	vadd.s32 v1, v10;
	v11 =	vadd.s32 v2, v10  }
0x4a: {  	[tilespmem:v19+s15+$0x0] =	vst.idx.msk $0xffff, v14  }
0x4b: {  	[tilespmem:v20+s15+$0x0] =	vst.idx.msk $0xffff, v14  }
0x4c: {  	_ =	sdelay $0x3  }
0x4d: {  	[tilespmem:v16+s15+$0x0] =	vst.idx.msk $0xffff, v14  }
0x4e: {  	[tilespmem:v15+s15+$0x0] =	vst.idx.msk $0xffff, v14  }
0x4f: {  	v14 =	vld.idx.msk [tilespmem:v13+s15+$0x0], $0xffff  }
0x50: {  	v15 =	vld.idx.msk [tilespmem:v12+s15+$0x0], $0xffff;
	_ =	sdelay $0x1  }
0x51: {  	v16 =	vld.idx.msk [tilespmem:v11+s15+$0x0], $0xffff;
	_ =	sdelay $0x2  }
0x52: {  	v17 =	vsub.f32 v14, v7;
	v18 =	vsub.f32 v15, v7  }
0x53: {  	vm0 =	vgt.f32 v14, v8;
	vm1 =	vgt.f32 v15, v8  }
0x54: {  	v59 =	vsub.f32 v16, v7;
	v14 =	vsel vm0, v17, v14;
	v15 =	vsel vm1, v18, v15  }
0x55: {  	vm14 =	vgt.f32 v16, v8;
	v60 =	vadd.f32 v14, v7;
	v19 =	vadd.f32 v15, v7  }
0x56: {  	v16 =	vsel vm14, v59, v16;
	vm15 =	vlt.f32 v14, v9;
	vm2 =	vlt.f32 v15, v9  }
0x57: {  	v17 =	vadd.f32 v16, v7;
	v14 =	vsel vm15, v60, v14;
	v15 =	vsel vm2, v19, v15  }
0x58: {  	vm0 =	vlt.f32 v16, v9;
	v18 =	vmul.f32 v14, v14;
	v19 =	vmul.f32 v15, v15  }
0x59: {  	v20 =	vadd.s32 v3, v10;
	v16 =	vsel vm0, v17, v16  }
0x5a: {  	v61 =	vadd.s32 v4, v10;
	v17 =	vmul.f32 v16, v16;
	v18 =	vadd.f32 v19, v18  }
0x5b: {  	v62 =	vadd.s32 v5, v10;
	[tilespmem:v13+s15+$0x0] =	vst.idx.msk $0xffff, v14  }
0x5c: {  	v10 =	vadd.s32 v6, v10;
	[tilespmem:v12+s15+$0x0] =	vst.idx.msk $0xffff, v15;
	v63 =	vadd.f32 v17, v18  }
0x5d: {  	s21 =	sadd.s32 s9, s21;
	[tilespmem:v11+s15+$0x0] =	vst.idx.msk $0xffff, v16  }
0x5e: {  	s21 =	sshll.u32 s21, $0x7;
	[tilespmem:v20+s15+$0x0] =	vst.idx.msk $0xffff, v63  }
0x5f: {  	s20 =	sadd.s32 $0x1, s20;
	s21 =	sor.u32 s10, s21;
	[tilespmem:v61+s15+$0x0] =	vst.idx.msk $0xffff, v63  }
0x60: {  	p0 =	sne.s32 s20, $0x19;
	s21 =	sshrl.u32 s21, $0x3;
	[tilespmem:v62+s15+$0x0] =	vst.idx.msk $0xffff, v63  }
.Ltmp1:
0x61: {  	s21 =	sadd.s32 s7, s21;
	[tilespmem:v10+s15+$0x0] =	vst.idx.msk $0xffff, v63;
	(pc) =	sbr.rel @p0 .LBB2_2-.Ltmp1, $4  }
0x62: {  	[hbm4b:s21+s17] =	stream.strided.scatter [tilespmem:s15], [sflag:$0x2], $0x17700, s18, s17, $0x38;
	[tilespmem:$0x186B0] =	vst v63  }
0x63: {  	_ =	swait.ge [sflag:s13], $0x17700  }
0x64: {  	[sflag:s13] =	ssyncset.done $0x0  }
0x65: {  	[sflag:s13] =	ssyncadd.s32 $0xFFFE8900  }
0x66: {  	s19 =	sadd.s32 $0x1, s19  }
0x67: {  	p0 =	sne.s32 s19, s11  }
.Ltmp2:
0x68: {  	_ = 	snop;
	(pc) =	sbr.rel @p0 .LBB2_1-.Ltmp2, $1  }
0x69: {  	_ =	sdelay $0x3  }
0x6a: {  	_ =	sfence.sel $0x180000  }
0x6b: {  	[bflag:$0x0] =	sbarrier.arrive $0xFFFF  }
0x6c: {  	p0 =	sne.s32 s2, $0x0;
	_ =	strace $0x90000047  }
0x6d: {  	s0 =	sadd.s32 @!p0 $0x100000, s0;
	[bflag:$0x2] =	sbarrier.arrive $0xFFFF  }
0x6e: {  	[sflag:s0] =	ssyncadd.tile.s32 @!p0 $0x1;
	_ =	shalt  }
.Lfunc_end2:
_tile_overlayer_lowered:
.L_overlay_start_2:
0x6f: {  	(tag) =	ssettag $0x2  }
0x70: {  	s0 =	rddreg [dreg:$0x0];
	s2 =	stileid.u32  }
0x71: {  	s1 =	rddreg [dreg:$0x1];
	p0 =	sne.s32 s2, $0x0  }
0x72: {  	s3 =	rddreg [dreg:$0x2];
	[bflag:$0x3] =	sbarrier.arrive $0xFFFF;
	s2 =	simm.s32 @!p0 $0x1C02  }
0x73: {  	[timem:s3], [sflag:s2] =	dma.local @!p0 [hbm:s0], s1  }
0x74: {  	s0 =	simm.s32 @!p0 $0x2  }
0x75: {  	_ =	swait.ge @!p0 [sflag:s0], s1  }
0x76: {  	s1 =	ssub.s32 @!p0 $0x0, s1;
	[sflag:s0] =	ssyncset.done @!p0 $0x0  }
0x77: {  	[sflag:s0] =	ssyncadd.s32 @!p0 s1  }
0x78: {  	[bflag:$0x3] =	sbarrier.arrive $0xFFFF  }
0x79: {  	_ =	shalt  }

</sc_bundles>
